<compile_context>
chip_gen: v7x
topology: tpu7x:2x2x1
jax: 0.10.2.dev20260603
libtpu: 0.0.44.dev20260713+nightly
codegen_flags: <defaults>
</compile_context>

<pallas_src>
import functools

import jax
import jax.numpy as jnp
from jax import lax
from jax.experimental import pallas as pl
from jax.experimental.pallas import tpu as pltpu
from jax.experimental.pallas import tpu_sc as plsc

_N = 10000
_E = 160000
_EPS = 1e-5
_NC = 2
_NS = 16
_NH = _N // _NC
_B = 125
_RPW = _N // _NS
_NBA = _E // _NS // _B
_NP = 10240
_RPQ = _NP // _NS
_NBD = _E // (_NC * _NS) // _B
_B2 = 80
_NB2 = _E // _NS // _B2
_A2TRASH = _NH
_A2ROWS = 5008
_A2RPW = _A2ROWS // _NS
_R = 200


@functools.cache
def _sc_kernels():
    mesh = plsc.VectorSubcoreMesh(core_axis_name="c", subcore_axis_name="s")

    @functools.partial(
        pl.kernel,
        out_type=jax.ShapeDtypeStruct((_NC, _NP, 16), jnp.float32),
        mesh=mesh,
        scratch_types=[
            pltpu.VMEM((_NBD, _B), jnp.int32),
            pltpu.VMEM((_B, 16), jnp.float32),
            pltpu.VMEM((128, 16), jnp.float32),
            pltpu.VMEM_SHARED((_NP, 16), jnp.float32),
            pltpu.SemaphoreType.DMA,
        ],
    )
    def deg(dst_hbm, out_hbm, dstv, ones_v, zeros_v, acc, ssem):
        cid = lax.axis_index("c")
        sid = lax.axis_index("s")

        def fill(r, carry):
            @pl.when(r < _B)
            def _():
                ones_v[r, :] = jnp.full((16,), 1.0, jnp.float32)

            zeros_v[r, :] = jnp.zeros((16,), jnp.float32)
            return carry

        lax.fori_loop(0, 128, fill, 0)
        for i in range(_RPQ // 128):
            pltpu.sync_copy(zeros_v, acc.at[pl.ds(sid * _RPQ + i * 128,
                                                  128)])
        pltpu.sync_copy(dst_hbm.at[cid, sid], dstv)
        plsc.subcore_barrier()

        def body(t, carry):
            da = pltpu.async_copy(ones_v, acc.at[dstv.at[t * 2]], ssem,
                                  add=True)
            db = pltpu.async_copy(ones_v, acc.at[dstv.at[t * 2 + 1]], ssem,
                                  add=True)
            da.wait()
            db.wait()
            return carry

        lax.fori_loop(0, _NBD // 2, body, 0)
        plsc.subcore_barrier()
        pltpu.sync_copy(acc.at[pl.ds(sid * _RPQ, _RPQ)],
                        out_hbm.at[cid, pl.ds(sid * _RPQ, _RPQ)])

    @functools.partial(
        pl.kernel,
        out_type=jax.ShapeDtypeStruct((_NC, _NS, _RPW, 128), jnp.float32),
        mesh=mesh,
        scratch_types=[
            pltpu.VMEM((_NBA, _B), jnp.int32),
            pltpu.VMEM((_NBA, _B), jnp.int32),
            pltpu.VMEM((_B, 128), jnp.float32),
            pltpu.VMEM_SHARED((_N, 128), jnp.float32),
            pltpu.SemaphoreType.DMA,
        ],
    )
    def agg1(tab_hbm, src_hbm, dst_hbm, out_hbm, srcv, dstv, rows0, acc,
             sem0):
        cid = lax.axis_index("c")
        sid = lax.axis_index("s")

        def fillz(r, carry):
            for k in range(8):
                rows0[r, pl.ds(k * 16, 16)] = jnp.zeros((16,), jnp.float32)
            return carry

        lax.fori_loop(0, _B, fillz, 0)
        for i in range(_RPW // _B):
            pltpu.sync_copy(rows0, acc.at[pl.ds(sid * _RPW + i * _B, _B)])
        pltpu.sync_copy(src_hbm.at[cid, sid], srcv)
        pltpu.sync_copy(dst_hbm.at[sid], dstv)
        plsc.subcore_barrier()

        def body(j, carry):
            pltpu.async_copy(tab_hbm.at[srcv.at[j]], rows0, sem0).wait()
            pltpu.sync_copy(rows0, acc.at[dstv.at[j]], add=True)
            return carry

        lax.fori_loop(0, _NBA, body, 0)
        plsc.subcore_barrier()
        pltpu.sync_copy(acc.at[pl.ds(sid * _RPW, _RPW)],
                        out_hbm.at[cid, sid])

    @functools.partial(
        pl.kernel,
        out_type=jax.ShapeDtypeStruct((_NC, _NS, _A2RPW, 128), jnp.float32),
        mesh=mesh,
        scratch_types=[
            pltpu.VMEM((_NB2, _B2), jnp.int32),
            pltpu.VMEM((_NB2, _B2), jnp.int32),
            pltpu.VMEM((_NB2, _B2), jnp.int32),
            pltpu.VMEM((_B2, 128), jnp.float32),
            pltpu.VMEM_SHARED((_A2ROWS, 128), jnp.float32),
            pltpu.SemaphoreType.DMA,
        ],
    )
    def agg2(tab_hbm, src_hbm, dst_hbm, out_hbm, srcv, dstv, dstt, rows0,
             acc, sem0):
        cid = lax.axis_index("c")
        sid = lax.axis_index("s")
        lo = cid * _NH

        def fillz(r, carry):
            for k in range(8):
                rows0[r, pl.ds(k * 16, 16)] = jnp.zeros((16,), jnp.float32)
            return carry

        lax.fori_loop(0, _B2, fillz, 0)
        base = sid * _A2RPW
        for i in range(3):
            pltpu.sync_copy(rows0, acc.at[pl.ds(base + i * _B2, _B2)])
        pltpu.sync_copy(rows0.at[pl.ds(0, _A2RPW - 3 * _B2)],
                        acc.at[pl.ds(base + 3 * _B2, _A2RPW - 3 * _B2)])
        pltpu.sync_copy(src_hbm.at[sid], srcv)
        pltpu.sync_copy(dst_hbm.at[sid], dstv)

        def xform(j, carry):
            for k in range(_B2 // 16):
                v = dstv[j, pl.ds(k * 16, 16)]
                vl = v - lo
                ok = (vl >= 0) & (vl < _NH)
                dstt[j, pl.ds(k * 16, 16)] = jnp.where(ok, vl, _A2TRASH)
            return carry

        lax.fori_loop(0, _NB2, xform, 0)
        plsc.subcore_barrier()

        def body(j, carry):
            pltpu.async_copy(tab_hbm.at[srcv.at[j]], rows0, sem0).wait()
            pltpu.sync_copy(rows0, acc.at[dstt.at[j]], add=True)
            return carry

        lax.fori_loop(0, _NB2, body, 0)
        plsc.subcore_barrier()
        pltpu.sync_copy(acc.at[pl.ds(base, _A2RPW)], out_hbm.at[cid, sid])

    return deg, agg1, agg2


def _dot(a, b):
    return lax.dot_general(a, b, (((1,), (0,)), ((), ())),
                           preferred_element_type=jnp.float32,
                           precision=lax.Precision.HIGHEST)


def _dinv_of(degp):
    deg = degp[0, :, 0:1] + degp[1, :, 0:1] + 1.0
    return lax.rsqrt(deg)


def _tc1_body(x_ref, lng, lnb, w1, degp, out_ref):
    xb = x_ref[...]
    mu = jnp.mean(xb, axis=1, keepdims=True)
    xc = xb - mu
    var = jnp.mean(xc * xc, axis=1, keepdims=True)
    h = xc * lax.rsqrt(var + _EPS) * lng[0] + lnb[0]
    hw = _dot(h, w1[...]) * _dinv_of(degp)
    out_ref[0] = hw[:, 0:128]
    out_ref[1] = hw[:, 128:256]


def _tc2_body(agg, tabp, degp, b1, g1, be1, m1, v1, w2, out_ref):
    dinv = _dinv_of(degp)
    h = jnp.concatenate([agg[0] + tabp[0], agg[1] + tabp[1]], axis=1)
    h = h * dinv + b1[0]
    h = (h - m1[0]) * lax.rsqrt(v1[0] + _EPS) * g1[0] + be1[0]
    h = jnp.maximum(h, 0.0)
    out_ref[...] = _dot(h, w2[...]) * dinv


def _tc3_body(agg, tabp, degp, b2, g2, be2, m2, v2, wc1, bc1, lncg, lncb,
              wc2, bc2, out_ref):
    dinv = _dinv_of(degp)
    h = agg[0] + tabp[...]
    h = h * dinv + b2[0]
    h = (h - m2[0]) * lax.rsqrt(v2[0] + _EPS) * g2[0] + be2[0]
    h = jnp.maximum(h, 0.0)
    hc = _dot(h, wc1[...]) + bc1[0]
    mu = jnp.mean(hc, axis=1, keepdims=True)
    hcc = hc - mu
    var = jnp.mean(hcc * hcc, axis=1, keepdims=True)
    hc = hcc * lax.rsqrt(var + _EPS) * lncg[0] + lncb[0]
    hc = jnp.maximum(hc, 0.0)
    out_ref[...] = _dot(hc, wc2[...]) + bc2[0]


def _bcast_spec(shape):
    return pl.BlockSpec(shape, lambda i: tuple(0 for _ in shape))


_deg_spec = pl.BlockSpec((2, _R, 16), lambda i: (0, i, 0))

_tc1 = pl.pallas_call(
    _tc1_body,
    grid=(_N // _R,),
    in_specs=[
        pl.BlockSpec((_R, 256), lambda i: (i, 0)),
        _bcast_spec((1, 256)),
        _bcast_spec((1, 256)),
        _bcast_spec((256, 256)),
        _deg_spec,
    ],
    out_specs=pl.BlockSpec((2, _R, 128), lambda i: (0, i, 0)),
    out_shape=jax.ShapeDtypeStruct((2, _N, 128), jnp.float32),
)

_tc2 = pl.pallas_call(
    _tc2_body,
    grid=(_N // _R,),
    in_specs=[
        pl.BlockSpec((2, _R, 128), lambda i: (0, i, 0)),
        pl.BlockSpec((2, _R, 128), lambda i: (0, i, 0)),
        _deg_spec,
        _bcast_spec((1, 256)),
        _bcast_spec((1, 256)),
        _bcast_spec((1, 256)),
        _bcast_spec((1, 256)),
        _bcast_spec((1, 256)),
        _bcast_spec((256, 128)),
    ],
    out_specs=pl.BlockSpec((_R, 128), lambda i: (i, 0)),
    out_shape=jax.ShapeDtypeStruct((_N, 128), jnp.float32),
)

_tc3 = pl.pallas_call(
    _tc3_body,
    grid=(_N // _R,),
    in_specs=[
        pl.BlockSpec((1, _R, 128), lambda i: (i // (_NH // _R),
                                              i % (_NH // _R), 0)),
        pl.BlockSpec((_R, 128), lambda i: (i, 0)),
        _deg_spec,
        _bcast_spec((1, 128)),
        _bcast_spec((1, 128)),
        _bcast_spec((1, 128)),
        _bcast_spec((1, 128)),
        _bcast_spec((1, 128)),
        _bcast_spec((128, 64)),
        _bcast_spec((1, 64)),
        _bcast_spec((1, 64)),
        _bcast_spec((1, 64)),
        _bcast_spec((64, 8)),
        _bcast_spec((1, 8)),
    ],
    out_specs=pl.BlockSpec((_R, 8), lambda i: (i, 0)),
    out_shape=jax.ShapeDtypeStruct((_N, 8), jnp.float32),
)


def kernel(x, edge_index, ln_g, ln_b, W1, b1, bn1_g, bn1_b, bn1_m, bn1_v,
           W2, b2, bn2_g, bn2_b, bn2_m, bn2_v, Wc1, bc1, lnc_g, lnc_b,
           Wc2, bc2):
    src = edge_index[0]
    dst = edge_index[1]
    src_rs = src.reshape(_NS, _NBA, _B)
    src_both = jnp.stack([src_rs, src_rs + _N])
    dst_rs = dst.reshape(_NS, _NBA, _B)
    dst_deg = dst.reshape(_NC, _NS, _NBD, _B)

    r2 = lambda a: a.reshape(1, -1)

    _deg, _agg1, _agg2 = _sc_kernels()
    degp = _deg(dst_deg)
    tab1 = _tc1(x, r2(ln_g), r2(ln_b), W1, degp)
    agg1 = _agg1(tab1.reshape(2 * _N, 128), src_both, dst_rs)
    tab2 = _tc2(agg1.reshape(_NC, _N, 128), tab1, degp, r2(b1), r2(bn1_g),
                r2(bn1_b), r2(bn1_m), r2(bn1_v), W2)
    src_rs2 = src.reshape(_NS, _NB2, _B2)
    dst_rs2 = dst.reshape(_NS, _NB2, _B2)
    agg2 = _agg2(tab2, src_rs2, dst_rs2)
    out = _tc3(agg2.reshape(_NC, _A2ROWS, 128), tab2, degp, r2(b2),
               r2(bn2_g), r2(bn2_b), r2(bn2_m), r2(bn2_v), Wc1, r2(bc1),
               r2(lnc_g), r2(lnc_b), Wc2, r2(bc2))
    return out

# --- scband reference (transcript-rebuilt; emitter-appended) ---
"""Pipeline reference for scband-regularized-spatial-gnn-17188459119262 (READ-ONLY COPY).

The authoritative reference and input builder live on the scoring server;
editing this copy changes nothing except your own understanding.
"""

import jax, jax.numpy as jnp
import numpy as np

N = 10000
E = 160000
D = 256
H = 256  # hidden_dim
H2 = H // 2
H4 = H // 4
C = 8
EPS = 1e-5


def setup_inputs(seed: int = 0) -> dict:
    key = jax.random.key(seed)
    ks = jax.random.split(key, 24)
    s = 0.05
    inp = {}
    inp['x'] = jax.random.normal(ks[0], (N, D), jnp.float32)
    inp['edge_index'] = jax.random.randint(ks[1], (2, E), 0, N, dtype=jnp.int32)
    # input LayerNorm params
    inp['ln_g'] = jnp.ones((D,), jnp.float32)
    inp['ln_b'] = jnp.zeros((D,), jnp.float32)
    # GCNConv 1
    inp['W1'] = jax.random.normal(ks[2], (D, H), jnp.float32) * s
    inp['b1'] = jnp.zeros((H,), jnp.float32)
    # BatchNorm1d(H) eval-mode
    inp['bn1_g'] = jnp.ones((H,), jnp.float32)
    inp['bn1_b'] = jnp.zeros((H,), jnp.float32)
    inp['bn1_m'] = jnp.zeros((H,), jnp.float32)
    inp['bn1_v'] = jnp.ones((H,), jnp.float32)
    # GCNConv 2
    inp['W2'] = jax.random.normal(ks[3], (H, H2), jnp.float32) * s
    inp['b2'] = jnp.zeros((H2,), jnp.float32)
    # BatchNorm1d(H2)
    inp['bn2_g'] = jnp.ones((H2,), jnp.float32)
    inp['bn2_b'] = jnp.zeros((H2,), jnp.float32)
    inp['bn2_m'] = jnp.zeros((H2,), jnp.float32)
    inp['bn2_v'] = jnp.ones((H2,), jnp.float32)
    # classifier: Linear(H2,H4), LayerNorm(H4), Linear(H4,C)
    inp['Wc1'] = jax.random.normal(ks[4], (H2, H4), jnp.float32) * s
    inp['bc1'] = jnp.zeros((H4,), jnp.float32)
    inp['lnc_g'] = jnp.ones((H4,), jnp.float32)
    inp['lnc_b'] = jnp.zeros((H4,), jnp.float32)
    inp['Wc2'] = jax.random.normal(ks[5], (H4, C), jnp.float32) * s
    inp['bc2'] = jnp.zeros((C,), jnp.float32)
    return inp


def _layer_norm(x, g, b):
    mu = jnp.mean(x, axis=-1, keepdims=True)
    var = jnp.var(x, axis=-1, keepdims=True)
    return (x - mu) / jnp.sqrt(var + EPS) * g + b


def _batch_norm_eval(x, g, b, m, v):
    return (x - m) / jnp.sqrt(v + EPS) * g + b


def _gcn_conv(x, edge_index, W, b):
    n = x.shape[0]
    loop = jnp.arange(n, dtype=edge_index.dtype)
    src = jnp.concatenate([edge_index[0], loop])
    dst = jnp.concatenate([edge_index[1], loop])
    deg = jnp.zeros((n,), jnp.float32).at[dst].add(1.0)
    dinv = jnp.where(deg > 0, jax.lax.rsqrt(jnp.maximum(deg, 1e-12)), 0.0)
    norm = dinv[src] * dinv[dst]
    h = x @ W
    msg = jnp.take(h, src, axis=0) * norm[:, None]
    out = jnp.zeros((n, W.shape[1]), jnp.float32).at[dst].add(msg)
    return out + b


def reference(x, edge_index, ln_g, ln_b, W1, b1, bn1_g, bn1_b, bn1_m, bn1_v,
              W2, b2, bn2_g, bn2_b, bn2_m, bn2_v, Wc1, bc1, lnc_g, lnc_b, Wc2, bc2):
    # eval mode: all dropouts / dropout_adj are identity
    h = _layer_norm(x, ln_g, ln_b)
    h = _gcn_conv(h, edge_index, W1, b1)
    h = _batch_norm_eval(h, bn1_g, bn1_b, bn1_m, bn1_v)
    h = jax.nn.relu(h)
    h = _gcn_conv(h, edge_index, W2, b2)
    h = _batch_norm_eval(h, bn2_g, bn2_b, bn2_m, bn2_v)
    h = jax.nn.relu(h)
    # classifier
    h = h @ Wc1 + bc1
    h = _layer_norm(h, lnc_g, lnc_b)
    h = jax.nn.relu(h)
    out = h @ Wc2 + bc2
    return out

if __name__ == "__main__":
    import jax
    _d = setup_inputs()
    print(jax.jit(kernel)(*tuple(_d.values())))

</pallas_src>

<mosaic_0001>
#map = affine_map<(d0, d1) -> (0, 0, 0, 0)>
#map1 = affine_map<(d0, d1) -> (0, 0, 0)>
module attributes {stable_mosaic.version = 14 : i64} {
  func.func @deg(%arg0: i32, %arg1: i32, %arg2: memref<2x16x40x125xi32, #tpu.memory_space<hbm>>, %arg3: memref<2x10240x16xf32, #tpu.memory_space<hbm>>, %arg4: memref<40x125xi32, #tpu.memory_space<vmem>>, %arg5: memref<125x16xf32, #tpu.memory_space<vmem>>, %arg6: memref<128x16xf32, #tpu.memory_space<vmem>>, %arg7: memref<10240x16xf32, #tpu.memory_space<vmem_shared>>, %arg8: memref<!tpu.dma_semaphore, #tpu.memory_space<semaphore_mem>>) attributes {dimension_semantics = [#tpu.dimension_semantics<core_parallel>, #tpu.dimension_semantics<subcore_parallel>], iteration_bounds = array<i64: 2, 16>, scalar_prefetch = 0 : i64, scratch_operands = 5 : i64, tpu.core_type = #tpu.core_type<sc_vector_subcore>, window_params = [{transform_indices = #map}, {transform_indices = #map1}]} {
    %scan3A = arith.constant 0 : i32
    %scan3A_0 = arith.constant 0 : i32
    %scan3A_1 = arith.constant 128 : i32
    %scan3A_2 = arith.addi %scan3A_0, %scan3A_1 : i32
    %scan3A_3 = arith.constant 1 : i32
    scf.for %scan3A_34 = %scan3A_0 to %scan3A_2 step %scan3A_3  : i32 {
      %lt3A = arith.constant 125 : i32
      %lt3A_35 = arith.cmpi slt, %scan3A_34, %lt3A : i32
      %convert_element_type3A = arith.extui %lt3A_35 : i1 to i32
      %cond3A = arith.constant 0 : i32
      %cond3A_36 = arith.cmpi ne, %convert_element_type3A, %cond3A : i32
      scf.if %cond3A_36 {
        %broadcast_in_dim3A_42 = arith.constant 1.000000e+00 : f32
        %broadcast_in_dim3A_43 = vector.broadcast %broadcast_in_dim3A_42 : f32 to vector<16xf32>
        %swap3A_44 = arith.index_cast %scan3A_34 : i32 to index
        %swap3A_45 = arith.constant 0 : index
        %swap3A_46 = tpu.vector_load %arg5[%swap3A_44, %swap3A_45] {strides = array<i32>} : memref<125x16xf32, #tpu.memory_space<vmem>>, vector<1x16xf32>,
        %swap3A_47 = vector.shape_cast %swap3A_46 : vector<1x16xf32> to vector<16xf32>
        %swap3A_48 = vector.shape_cast %broadcast_in_dim3A_43 : vector<16xf32> to vector<1x16xf32>
        tpu.vector_store %arg5[%swap3A_44, %swap3A_45], %swap3A_48 {strides = array<i32>} : memref<125x16xf32, #tpu.memory_space<vmem>>, vector<1x16xf32>,
      } else {
      }
      %broadcast_in_dim3A = arith.constant 0.000000e+00 : f32
      %broadcast_in_dim3A_37 = vector.broadcast %broadcast_in_dim3A : f32 to vector<16xf32>
      %swap3A = arith.index_cast %scan3A_34 : i32 to index
      %swap3A_38 = arith.constant 0 : index
      %swap3A_39 = tpu.vector_load %arg6[%swap3A, %swap3A_38] {strides = array<i32>} : memref<128x16xf32, #tpu.memory_space<vmem>>, vector<1x16xf32>,
      %swap3A_40 = vector.shape_cast %swap3A_39 : vector<1x16xf32> to vector<16xf32>
      %swap3A_41 = vector.shape_cast %broadcast_in_dim3A_37 : vector<16xf32> to vector<1x16xf32>
      tpu.vector_store %arg6[%swap3A, %swap3A_38], %swap3A_41 {strides = array<i32>} : memref<128x16xf32, #tpu.memory_space<vmem>>, vector<1x16xf32>,
    }
    %scan3A_4 = arith.constant 128 : i32
    %mul3A = arith.constant 640 : i32
    %mul3A_5 = arith.muli %arg1, %mul3A : i32
    %add3A = arith.constant 0 : i32
    %add3A_6 = arith.addi %mul3A_5, %add3A : i32
    "tpu.region"() ({
      %run_scoped3A = tpu.sem_alloc : memref<!tpu.dma_semaphore, #tpu.memory_space<semaphore_mem>>
      %dma_start3A = arith.constant 0 : i32
      %dma_start3A_34 = tpu.memref_slice %arg7[%add3A_6, %dma_start3A] : memref<10240x16xf32, #tpu.memory_space<vmem_shared>> -> memref<128x16xf32, #tpu.memory_space<vmem_shared>>
      %dma_start3A_35 = arith.constant 0 : i32
      %dma_start3A_36 = tpu.memref_slice %arg7[%add3A_6, %dma_start3A_35] : memref<10240x16xf32, #tpu.memory_space<vmem_shared>> -> memref<128x16xf32, #tpu.memory_space<vmem_shared>>
      tpu.enqueue_dma source(%arg6 : memref<128x16xf32, #tpu.memory_space<vmem>>) target(%dma_start3A_36 : memref<128x16xf32, #tpu.memory_space<vmem_shared>>) target_semaphore(%run_scoped3A : memref<!tpu.dma_semaphore, #tpu.memory_space<semaphore_mem>>)
      %dma_wait3A = arith.constant 0 : i32
      %dma_wait3A_37 = tpu.memref_slice %arg7[%add3A_6, %dma_wait3A] : memref<10240x16xf32, #tpu.memory_space<vmem_shared>> -> memref<128x16xf32, #tpu.memory_space<vmem_shared>>
      %dma_wait3A_38 = arith.constant 0 : i32
      %dma_wait3A_39 = tpu.memref_slice %arg7[%add3A_6, %dma_wait3A_38] : memref<10240x16xf32, #tpu.memory_space<vmem_shared>> -> memref<128x16xf32, #tpu.memory_space<vmem_shared>>
      tpu.wait_dma2 semaphore(%run_scoped3A : memref<!tpu.dma_semaphore, #tpu.memory_space<semaphore_mem>>) src(%arg6 : memref<128x16xf32, #tpu.memory_space<vmem>>) dst(%dma_wait3A_39 : memref<128x16xf32, #tpu.memory_space<vmem_shared>>)
      tpu.yield
    }) : () -> ()
    %mul3A_7 = arith.constant 640 : i32
    %mul3A_8 = arith.muli %arg1, %mul3A_7 : i32
    %add3A_9 = arith.constant 128 : i32
    %add3A_10 = arith.addi %mul3A_8, %add3A_9 : i32
    "tpu.region"() ({
      %run_scoped3A = tpu.sem_alloc : memref<!tpu.dma_semaphore, #tpu.memory_space<semaphore_mem>>
      %dma_start3A = arith.constant 0 : i32
      %dma_start3A_34 = tpu.memref_slice %arg7[%add3A_10, %dma_start3A] : memref<10240x16xf32, #tpu.memory_space<vmem_shared>> -> memref<128x16xf32, #tpu.memory_space<vmem_shared>>
      %dma_start3A_35 = arith.constant 0 : i32
      %dma_start3A_36 = tpu.memref_slice %arg7[%add3A_10, %dma_start3A_35] : memref<10240x16xf32, #tpu.memory_space<vmem_shared>> -> memref<128x16xf32, #tpu.memory_space<vmem_shared>>
      tpu.enqueue_dma source(%arg6 : memref<128x16xf32, #tpu.memory_space<vmem>>) target(%dma_start3A_36 : memref<128x16xf32, #tpu.memory_space<vmem_shared>>) target_semaphore(%run_scoped3A : memref<!tpu.dma_semaphore, #tpu.memory_space<semaphore_mem>>)
      %dma_wait3A = arith.constant 0 : i32
      %dma_wait3A_37 = tpu.memref_slice %arg7[%add3A_10, %dma_wait3A] : memref<10240x16xf32, #tpu.memory_space<vmem_shared>> -> memref<128x16xf32, #tpu.memory_space<vmem_shared>>
      %dma_wait3A_38 = arith.constant 0 : i32
      %dma_wait3A_39 = tpu.memref_slice %arg7[%add3A_10, %dma_wait3A_38] : memref<10240x16xf32, #tpu.memory_space<vmem_shared>> -> memref<128x16xf32, #tpu.memory_space<vmem_shared>>
      tpu.wait_dma2 semaphore(%run_scoped3A : memref<!tpu.dma_semaphore, #tpu.memory_space<semaphore_mem>>) src(%arg6 : memref<128x16xf32, #tpu.memory_space<vmem>>) dst(%dma_wait3A_39 : memref<128x16xf32, #tpu.memory_space<vmem_shared>>)
      tpu.yield
    }) : () -> ()
    %mul3A_11 = arith.constant 640 : i32
    %mul3A_12 = arith.muli %arg1, %mul3A_11 : i32
    %add3A_13 = arith.constant 256 : i32
    %add3A_14 = arith.addi %mul3A_12, %add3A_13 : i32
    "tpu.region"() ({
      %run_scoped3A = tpu.sem_alloc : memref<!tpu.dma_semaphore, #tpu.memory_space<semaphore_mem>>
      %dma_start3A = arith.constant 0 : i32
      %dma_start3A_34 = tpu.memref_slice %arg7[%add3A_14, %dma_start3A] : memref<10240x16xf32, #tpu.memory_space<vmem_shared>> -> memref<128x16xf32, #tpu.memory_space<vmem_shared>>
      %dma_start3A_35 = arith.constant 0 : i32
      %dma_start3A_36 = tpu.memref_slice %arg7[%add3A_14, %dma_start3A_35] : memref<10240x16xf32, #tpu.memory_space<vmem_shared>> -> memref<128x16xf32, #tpu.memory_space<vmem_shared>>
      tpu.enqueue_dma source(%arg6 : memref<128x16xf32, #tpu.memory_space<vmem>>) target(%dma_start3A_36 : memref<128x16xf32, #tpu.memory_space<vmem_shared>>) target_semaphore(%run_scoped3A : memref<!tpu.dma_semaphore, #tpu.memory_space<semaphore_mem>>)
      %dma_wait3A = arith.constant 0 : i32
      %dma_wait3A_37 = tpu.memref_slice %arg7[%add3A_14, %dma_wait3A] : memref<10240x16xf32, #tpu.memory_space<vmem_shared>> -> memref<128x16xf32, #tpu.memory_space<vmem_shared>>
      %dma_wait3A_38 = arith.constant 0 : i32
      %dma_wait3A_39 = tpu.memref_slice %arg7[%add3A_14, %dma_wait3A_38] : memref<10240x16xf32, #tpu.memory_space<vmem_shared>> -> memref<128x16xf32, #tpu.memory_space<vmem_shared>>
      tpu.wait_dma2 semaphore(%run_scoped3A : memref<!tpu.dma_semaphore, #tpu.memory_space<semaphore_mem>>) src(%arg6 : memref<128x16xf32, #tpu.memory_space<vmem>>) dst(%dma_wait3A_39 : memref<128x16xf32, #tpu.memory_space<vmem_shared>>)
      tpu.yield
    }) : () -> ()
    %mul3A_15 = arith.constant 640 : i32
    %mul3A_16 = arith.muli %arg1, %mul3A_15 : i32
    %add3A_17 = arith.constant 384 : i32
    %add3A_18 = arith.addi %mul3A_16, %add3A_17 : i32
    "tpu.region"() ({
      %run_scoped3A = tpu.sem_alloc : memref<!tpu.dma_semaphore, #tpu.memory_space<semaphore_mem>>
      %dma_start3A = arith.constant 0 : i32
      %dma_start3A_34 = tpu.memref_slice %arg7[%add3A_18, %dma_start3A] : memref<10240x16xf32, #tpu.memory_space<vmem_shared>> -> memref<128x16xf32, #tpu.memory_space<vmem_shared>>
      %dma_start3A_35 = arith.constant 0 : i32
      %dma_start3A_36 = tpu.memref_slice %arg7[%add3A_18, %dma_start3A_35] : memref<10240x16xf32, #tpu.memory_space<vmem_shared>> -> memref<128x16xf32, #tpu.memory_space<vmem_shared>>
      tpu.enqueue_dma source(%arg6 : memref<128x16xf32, #tpu.memory_space<vmem>>) target(%dma_start3A_36 : memref<128x16xf32, #tpu.memory_space<vmem_shared>>) target_semaphore(%run_scoped3A : memref<!tpu.dma_semaphore, #tpu.memory_space<semaphore_mem>>)
      %dma_wait3A = arith.constant 0 : i32
      %dma_wait3A_37 = tpu.memref_slice %arg7[%add3A_18, %dma_wait3A] : memref<10240x16xf32, #tpu.memory_space<vmem_shared>> -> memref<128x16xf32, #tpu.memory_space<vmem_shared>>
      %dma_wait3A_38 = arith.constant 0 : i32
      %dma_wait3A_39 = tpu.memref_slice %arg7[%add3A_18, %dma_wait3A_38] : memref<10240x16xf32, #tpu.memory_space<vmem_shared>> -> memref<128x16xf32, #tpu.memory_space<vmem_shared>>
      tpu.wait_dma2 semaphore(%run_scoped3A : memref<!tpu.dma_semaphore, #tpu.memory_space<semaphore_mem>>) src(%arg6 : memref<128x16xf32, #tpu.memory_space<vmem>>) dst(%dma_wait3A_39 : memref<128x16xf32, #tpu.memory_space<vmem_shared>>)
      tpu.yield
    }) : () -> ()
    %mul3A_19 = arith.constant 640 : i32
    %mul3A_20 = arith.muli %arg1, %mul3A_19 : i32
    %add3A_21 = arith.constant 512 : i32
    %add3A_22 = arith.addi %mul3A_20, %add3A_21 : i32
    "tpu.region"() ({
      %run_scoped3A = tpu.sem_alloc : memref<!tpu.dma_semaphore, #tpu.memory_space<semaphore_mem>>
      %dma_start3A = arith.constant 0 : i32
      %dma_start3A_34 = tpu.memref_slice %arg7[%add3A_22, %dma_start3A] : memref<10240x16xf32, #tpu.memory_space<vmem_shared>> -> memref<128x16xf32, #tpu.memory_space<vmem_shared>>
      %dma_start3A_35 = arith.constant 0 : i32
      %dma_start3A_36 = tpu.memref_slice %arg7[%add3A_22, %dma_start3A_35] : memref<10240x16xf32, #tpu.memory_space<vmem_shared>> -> memref<128x16xf32, #tpu.memory_space<vmem_shared>>
      tpu.enqueue_dma source(%arg6 : memref<128x16xf32, #tpu.memory_space<vmem>>) target(%dma_start3A_36 : memref<128x16xf32, #tpu.memory_space<vmem_shared>>) target_semaphore(%run_scoped3A : memref<!tpu.dma_semaphore, #tpu.memory_space<semaphore_mem>>)
      %dma_wait3A = arith.constant 0 : i32
      %dma_wait3A_37 = tpu.memref_slice %arg7[%add3A_22, %dma_wait3A] : memref<10240x16xf32, #tpu.memory_space<vmem_shared>> -> memref<128x16xf32, #tpu.memory_space<vmem_shared>>
      %dma_wait3A_38 = arith.constant 0 : i32
      %dma_wait3A_39 = tpu.memref_slice %arg7[%add3A_22, %dma_wait3A_38] : memref<10240x16xf32, #tpu.memory_space<vmem_shared>> -> memref<128x16xf32, #tpu.memory_space<vmem_shared>>
      tpu.wait_dma2 semaphore(%run_scoped3A : memref<!tpu.dma_semaphore, #tpu.memory_space<semaphore_mem>>) src(%arg6 : memref<128x16xf32, #tpu.memory_space<vmem>>) dst(%dma_wait3A_39 : memref<128x16xf32, #tpu.memory_space<vmem_shared>>)
      tpu.yield
    }) : () -> ()
    "tpu.region"() ({
      %run_scoped3A = tpu.sem_alloc : memref<!tpu.dma_semaphore, #tpu.memory_space<semaphore_mem>>
      %dma_start3A = arith.constant 0 : i32
      %dma_start3A_34 = arith.constant 0 : i32
      %dma_start3A_35 = tpu.memref_slice %arg2[%arg0, %arg1, %dma_start3A, %dma_start3A_34] : memref<2x16x40x125xi32, #tpu.memory_space<hbm>> -> memref<1x1x40x125xi32, #tpu.memory_space<hbm>>
      %dma_start3A_36 = tpu.memref_squeeze %dma_start3A_35 : memref<1x1x40x125xi32, #tpu.memory_space<hbm>> -> memref<40x125xi32, #tpu.memory_space<hbm>>
      %dma_start3A_37 = arith.constant 0 : i32
      %dma_start3A_38 = arith.constant 0 : i32
      %dma_start3A_39 = tpu.memref_slice %arg2[%arg0, %arg1, %dma_start3A_37, %dma_start3A_38] : memref<2x16x40x125xi32, #tpu.memory_space<hbm>> -> memref<1x1x40x125xi32, #tpu.memory_space<hbm>>
      %dma_start3A_40 = tpu.memref_squeeze %dma_start3A_39 : memref<1x1x40x125xi32, #tpu.memory_space<hbm>> -> memref<40x125xi32, #tpu.memory_space<hbm>>
      tpu.enqueue_dma source(%dma_start3A_40 : memref<40x125xi32, #tpu.memory_space<hbm>>) target(%arg4 : memref<40x125xi32, #tpu.memory_space<vmem>>) target_semaphore(%run_scoped3A : memref<!tpu.dma_semaphore, #tpu.memory_space<semaphore_mem>>)
      %dma_wait3A = arith.constant 0 : i32
      %dma_wait3A_41 = arith.constant 0 : i32
      %dma_wait3A_42 = tpu.memref_slice %arg2[%arg0, %arg1, %dma_wait3A, %dma_wait3A_41] : memref<2x16x40x125xi32, #tpu.memory_space<hbm>> -> memref<1x1x40x125xi32, #tpu.memory_space<hbm>>
      %dma_wait3A_43 = tpu.memref_squeeze %dma_wait3A_42 : memref<1x1x40x125xi32, #tpu.memory_space<hbm>> -> memref<40x125xi32, #tpu.memory_space<hbm>>
      %dma_wait3A_44 = arith.constant 0 : i32
      %dma_wait3A_45 = arith.constant 0 : i32
      %dma_wait3A_46 = tpu.memref_slice %arg2[%arg0, %arg1, %dma_wait3A_44, %dma_wait3A_45] : memref<2x16x40x125xi32, #tpu.memory_space<hbm>> -> memref<1x1x40x125xi32, #tpu.memory_space<hbm>>
      %dma_wait3A_47 = tpu.memref_squeeze %dma_wait3A_46 : memref<1x1x40x125xi32, #tpu.memory_space<hbm>> -> memref<40x125xi32, #tpu.memory_space<hbm>>
      tpu.wait_dma2 semaphore(%run_scoped3A : memref<!tpu.dma_semaphore, #tpu.memory_space<semaphore_mem>>) src(%dma_wait3A_47 : memref<40x125xi32, #tpu.memory_space<hbm>>) dst(%arg4 : memref<40x125xi32, #tpu.memory_space<vmem>>)
      tpu.yield
    }) : () -> ()
    %barrier3A = arith.constant 0 : index
    tpu.barrier barrier_id(%barrier3A)
    %scan3A_23 = arith.constant 0 : i32
    %scan3A_24 = arith.constant 0 : i32
    %scan3A_25 = arith.constant 20 : i32
    %scan3A_26 = arith.addi %scan3A_24, %scan3A_25 : i32
    %scan3A_27 = arith.constant 1 : i32
    scf.for %scan3A_34 = %scan3A_24 to %scan3A_26 step %scan3A_27  : i32 {
      %mul3A_35 = arith.constant 2 : i32
      %mul3A_36 = arith.muli %scan3A_34, %mul3A_35 : i32
      %dma_start3A = arith.constant 0 : i32
      %dma_start3A_37 = tpu.memref_slice %arg4[%mul3A_36, %dma_start3A] : memref<40x125xi32, #tpu.memory_space<vmem>> -> memref<1x125xi32, #tpu.memory_space<vmem>>
      %dma_start3A_38 = tpu.memref_squeeze %dma_start3A_37 : memref<1x125xi32, #tpu.memory_space<vmem>> -> memref<125xi32, #tpu.memory_space<vmem>>
      %dma_start3A_39 = arith.constant 0 : i32
      %dma_start3A_40 = arith.constant 0 : i32
      %dma_start3A_41 = tpu.memref_slice %arg7[%dma_start3A_39, %dma_start3A_40] : memref<10240x16xf32, #tpu.memory_space<vmem_shared>> -> memref<10240x16xf32, #tpu.memory_space<vmem_shared>>
      tpu.enqueue_indirect_dma source(%arg5 : memref<125x16xf32, #tpu.memory_space<vmem>>) target(%dma_start3A_41 : memref<10240x16xf32, #tpu.memory_space<vmem_shared>>) offsets(%dma_start3A_38 : memref<125xi32, #tpu.memory_space<vmem>>) semaphore(%arg8 : memref<!tpu.dma_semaphore, #tpu.memory_space<semaphore_mem>>) {add = true}
      %mul3A_42 = arith.constant 2 : i32
      %mul3A_43 = arith.muli %scan3A_34, %mul3A_42 : i32
      %add3A_44 = arith.constant 1 : i32
      %add3A_45 = arith.addi %mul3A_43, %add3A_44 : i32
      %dma_start3A_46 = arith.constant 0 : i32
      %dma_start3A_47 = tpu.memref_slice %arg4[%add3A_45, %dma_start3A_46] : memref<40x125xi32, #tpu.memory_space<vmem>> -> memref<1x125xi32, #tpu.memory_space<vmem>>
      %dma_start3A_48 = tpu.memref_squeeze %dma_start3A_47 : memref<1x125xi32, #tpu.memory_space<vmem>> -> memref<125xi32, #tpu.memory_space<vmem>>
      %dma_start3A_49 = arith.constant 0 : i32
      %dma_start3A_50 = arith.constant 0 : i32
      %dma_start3A_51 = tpu.memref_slice %arg7[%dma_start3A_49, %dma_start3A_50] : memref<10240x16xf32, #tpu.memory_space<vmem_shared>> -> memref<10240x16xf32, #tpu.memory_space<vmem_shared>>
      tpu.enqueue_indirect_dma source(%arg5 : memref<125x16xf32, #tpu.memory_space<vmem>>) target(%dma_start3A_51 : memref<10240x16xf32, #tpu.memory_space<vmem_shared>>) offsets(%dma_start3A_48 : memref<125xi32, #tpu.memory_space<vmem>>) semaphore(%arg8 : memref<!tpu.dma_semaphore, #tpu.memory_space<semaphore_mem>>) {add = true}
      %dma_wait3A = arith.constant 0 : i32
      %dma_wait3A_52 = tpu.memref_slice %arg4[%mul3A_36, %dma_wait3A] : memref<40x125xi32, #tpu.memory_space<vmem>> -> memref<1x125xi32, #tpu.memory_space<vmem>>
      %dma_wait3A_53 = tpu.memref_squeeze %dma_wait3A_52 : memref<1x125xi32, #tpu.memory_space<vmem>> -> memref<125xi32, #tpu.memory_space<vmem>>
      %dma_wait3A_54 = arith.constant 0 : i32
      %dma_wait3A_55 = arith.constant 0 : i32
      %dma_wait3A_56 = tpu.memref_slice %arg7[%dma_wait3A_54, %dma_wait3A_55] : memref<10240x16xf32, #tpu.memory_space<vmem_shared>> -> memref<10240x16xf32, #tpu.memory_space<vmem_shared>>
      tpu.wait_indirect_dma semaphore(%arg8 : memref<!tpu.dma_semaphore, #tpu.memory_space<semaphore_mem>>) src(%arg5 : memref<125x16xf32, #tpu.memory_space<vmem>>) dst(%dma_wait3A_56 : memref<10240x16xf32, #tpu.memory_space<vmem_shared>>)
      %dma_wait3A_57 = arith.constant 0 : i32
      %dma_wait3A_58 = tpu.memref_slice %arg4[%add3A_45, %dma_wait3A_57] : memref<40x125xi32, #tpu.memory_space<vmem>> -> memref<1x125xi32, #tpu.memory_space<vmem>>
      %dma_wait3A_59 = tpu.memref_squeeze %dma_wait3A_58 : memref<1x125xi32, #tpu.memory_space<vmem>> -> memref<125xi32, #tpu.memory_space<vmem>>
      %dma_wait3A_60 = arith.constant 0 : i32
      %dma_wait3A_61 = arith.constant 0 : i32
      %dma_wait3A_62 = tpu.memref_slice %arg7[%dma_wait3A_60, %dma_wait3A_61] : memref<10240x16xf32, #tpu.memory_space<vmem_shared>> -> memref<10240x16xf32, #tpu.memory_space<vmem_shared>>
      tpu.wait_indirect_dma semaphore(%arg8 : memref<!tpu.dma_semaphore, #tpu.memory_space<semaphore_mem>>) src(%arg5 : memref<125x16xf32, #tpu.memory_space<vmem>>) dst(%dma_wait3A_62 : memref<10240x16xf32, #tpu.memory_space<vmem_shared>>)
    }
    %scan3A_28 = arith.constant 20 : i32
    %barrier3A_29 = arith.constant 0 : index
    tpu.barrier barrier_id(%barrier3A_29)
    %mul3A_30 = arith.constant 640 : i32
    %mul3A_31 = arith.muli %arg1, %mul3A_30 : i32
    %mul3A_32 = arith.constant 640 : i32
    %mul3A_33 = arith.muli %arg1, %mul3A_32 : i32
    "tpu.region"() ({
      %run_scoped3A = tpu.sem_alloc : memref<!tpu.dma_semaphore, #tpu.memory_space<semaphore_mem>>
      %dma_start3A = arith.constant 0 : i32
      %dma_start3A_34 = tpu.memref_slice %arg3[%arg0, %mul3A_33, %dma_start3A] : memref<2x10240x16xf32, #tpu.memory_space<hbm>> -> memref<1x640x16xf32, #tpu.memory_space<hbm>>
      %dma_start3A_35 = tpu.memref_squeeze %dma_start3A_34 : memref<1x640x16xf32, #tpu.memory_space<hbm>> -> memref<640x16xf32, #tpu.memory_space<hbm>>
      %dma_start3A_36 = arith.constant 0 : i32
      %dma_start3A_37 = tpu.memref_slice %arg7[%mul3A_31, %dma_start3A_36] : memref<10240x16xf32, #tpu.memory_space<vmem_shared>> -> memref<640x16xf32, #tpu.memory_space<vmem_shared>>
      tpu.enqueue_dma source(%dma_start3A_37 : memref<640x16xf32, #tpu.memory_space<vmem_shared>>) target(%dma_start3A_35 : memref<640x16xf32, #tpu.memory_space<hbm>>) target_semaphore(%run_scoped3A : memref<!tpu.dma_semaphore, #tpu.memory_space<semaphore_mem>>)
      %dma_wait3A = arith.constant 0 : i32
      %dma_wait3A_38 = tpu.memref_slice %arg3[%arg0, %mul3A_33, %dma_wait3A] : memref<2x10240x16xf32, #tpu.memory_space<hbm>> -> memref<1x640x16xf32, #tpu.memory_space<hbm>>
      %dma_wait3A_39 = tpu.memref_squeeze %dma_wait3A_38 : memref<1x640x16xf32, #tpu.memory_space<hbm>> -> memref<640x16xf32, #tpu.memory_space<hbm>>
      %dma_wait3A_40 = arith.constant 0 : i32
      %dma_wait3A_41 = tpu.memref_slice %arg7[%mul3A_31, %dma_wait3A_40] : memref<10240x16xf32, #tpu.memory_space<vmem_shared>> -> memref<640x16xf32, #tpu.memory_space<vmem_shared>>
      tpu.wait_dma2 semaphore(%run_scoped3A : memref<!tpu.dma_semaphore, #tpu.memory_space<semaphore_mem>>) src(%dma_wait3A_41 : memref<640x16xf32, #tpu.memory_space<vmem_shared>>) dst(%dma_wait3A_39 : memref<640x16xf32, #tpu.memory_space<hbm>>)
      tpu.yield
    }) : () -> ()
    return
  }
}

#map = affine_map<(d0, d1) -> (0, 0)>
#map1 = affine_map<(d0, d1) -> (0, 0, 0)>
#map2 = affine_map<(d0, d1) -> (0, 0, 0, 0)>
module attributes {stable_mosaic.version = 14 : i64} {
  func.func @agg2(%arg0: i32, %arg1: i32, %arg2: memref<10000x128xf32, #tpu.memory_space<hbm>>, %arg3: memref<16x125x80xi32, #tpu.memory_space<hbm>>, %arg4: memref<16x125x80xi32, #tpu.memory_space<hbm>>, %arg5: memref<2x16x313x128xf32, #tpu.memory_space<hbm>>, %arg6: memref<125x80xi32, #tpu.memory_space<vmem>>, %arg7: memref<125x80xi32, #tpu.memory_space<vmem>>, %arg8: memref<125x80xi32, #tpu.memory_space<vmem>>, %arg9: memref<80x128xf32, #tpu.memory_space<vmem>>, %arg10: memref<5008x128xf32, #tpu.memory_space<vmem_shared>>, %arg11: memref<!tpu.dma_semaphore, #tpu.memory_space<semaphore_mem>>) attributes {dimension_semantics = [#tpu.dimension_semantics<core_parallel>, #tpu.dimension_semantics<subcore_parallel>], iteration_bounds = array<i64: 2, 16>, scalar_prefetch = 0 : i64, scratch_operands = 6 : i64, tpu.core_type = #tpu.core_type<sc_vector_subcore>, window_params = [{transform_indices = #map}, {transform_indices = #map1}, {transform_indices = #map1}, {transform_indices = #map2}]} {
    %mul3A = arith.constant 5000 : i32
    %mul3A_0 = arith.muli %arg0, %mul3A : i32
    %scan3A = arith.constant 0 : i32
    %scan3A_1 = arith.constant 0 : i32
    %scan3A_2 = arith.constant 80 : i32
    %scan3A_3 = arith.addi %scan3A_1, %scan3A_2 : i32
    %scan3A_4 = arith.constant 1 : i32
    scf.for %scan3A_28 = %scan3A_1 to %scan3A_3 step %scan3A_4  : i32 {
      %broadcast_in_dim3A = arith.constant 0.000000e+00 : f32
      %broadcast_in_dim3A_29 = vector.broadcast %broadcast_in_dim3A : f32 to vector<16xf32>
      %swap3A = arith.index_cast %scan3A_28 : i32 to index
      %swap3A_30 = arith.constant 0 : index
      %swap3A_31 = tpu.vector_load %arg9[%swap3A, %swap3A_30] {strides = array<i32>} : memref<80x128xf32, #tpu.memory_space<vmem>>, vector<1x16xf32>,
      %swap3A_32 = vector.shape_cast %swap3A_31 : vector<1x16xf32> to vector<16xf32>
      %swap3A_33 = vector.shape_cast %broadcast_in_dim3A_29 : vector<16xf32> to vector<1x16xf32>
      tpu.vector_store %arg9[%swap3A, %swap3A_30], %swap3A_33 {strides = array<i32>} : memref<80x128xf32, #tpu.memory_space<vmem>>, vector<1x16xf32>,
      %broadcast_in_dim3A_34 = arith.constant 0.000000e+00 : f32
      %broadcast_in_dim3A_35 = vector.broadcast %broadcast_in_dim3A_34 : f32 to vector<16xf32>
      %swap3A_36 = arith.index_cast %scan3A_28 : i32 to index
      %swap3A_37 = arith.constant 16 : index
      %swap3A_38 = tpu.vector_load %arg9[%swap3A_36, %swap3A_37] {strides = array<i32>} : memref<80x128xf32, #tpu.memory_space<vmem>>, vector<1x16xf32>,
      %swap3A_39 = vector.shape_cast %swap3A_38 : vector<1x16xf32> to vector<16xf32>
      %swap3A_40 = vector.shape_cast %broadcast_in_dim3A_35 : vector<16xf32> to vector<1x16xf32>
      tpu.vector_store %arg9[%swap3A_36, %swap3A_37], %swap3A_40 {strides = array<i32>} : memref<80x128xf32, #tpu.memory_space<vmem>>, vector<1x16xf32>,
      %broadcast_in_dim3A_41 = arith.constant 0.000000e+00 : f32
      %broadcast_in_dim3A_42 = vector.broadcast %broadcast_in_dim3A_41 : f32 to vector<16xf32>
      %swap3A_43 = arith.index_cast %scan3A_28 : i32 to index
      %swap3A_44 = arith.constant 32 : index
      %swap3A_45 = tpu.vector_load %arg9[%swap3A_43, %swap3A_44] {strides = array<i32>} : memref<80x128xf32, #tpu.memory_space<vmem>>, vector<1x16xf32>,
      %swap3A_46 = vector.shape_cast %swap3A_45 : vector<1x16xf32> to vector<16xf32>
      %swap3A_47 = vector.shape_cast %broadcast_in_dim3A_42 : vector<16xf32> to vector<1x16xf32>
      tpu.vector_store %arg9[%swap3A_43, %swap3A_44], %swap3A_47 {strides = array<i32>} : memref<80x128xf32, #tpu.memory_space<vmem>>, vector<1x16xf32>,
      %broadcast_in_dim3A_48 = arith.constant 0.000000e+00 : f32
      %broadcast_in_dim3A_49 = vector.broadcast %broadcast_in_dim3A_48 : f32 to vector<16xf32>
      %swap3A_50 = arith.index_cast %scan3A_28 : i32 to index
      %swap3A_51 = arith.constant 48 : index
      %swap3A_52 = tpu.vector_load %arg9[%swap3A_50, %swap3A_51] {strides = array<i32>} : memref<80x128xf32, #tpu.memory_space<vmem>>, vector<1x16xf32>,
      %swap3A_53 = vector.shape_cast %swap3A_52 : vector<1x16xf32> to vector<16xf32>
      %swap3A_54 = vector.shape_cast %broadcast_in_dim3A_49 : vector<16xf32> to vector<1x16xf32>
      tpu.vector_store %arg9[%swap3A_50, %swap3A_51], %swap3A_54 {strides = array<i32>} : memref<80x128xf32, #tpu.memory_space<vmem>>, vector<1x16xf32>,
      %broadcast_in_dim3A_55 = arith.constant 0.000000e+00 : f32
      %broadcast_in_dim3A_56 = vector.broadcast %broadcast_in_dim3A_55 : f32 to vector<16xf32>
      %swap3A_57 = arith.index_cast %scan3A_28 : i32 to index
      %swap3A_58 = arith.constant 64 : index
      %swap3A_59 = tpu.vector_load %arg9[%swap3A_57, %swap3A_58] {strides = array<i32>} : memref<80x128xf32, #tpu.memory_space<vmem>>, vector<1x16xf32>,
      %swap3A_60 = vector.shape_cast %swap3A_59 : vector<1x16xf32> to vector<16xf32>
      %swap3A_61 = vector.shape_cast %broadcast_in_dim3A_56 : vector<16xf32> to vector<1x16xf32>
      tpu.vector_store %arg9[%swap3A_57, %swap3A_58], %swap3A_61 {strides = array<i32>} : memref<80x128xf32, #tpu.memory_space<vmem>>, vector<1x16xf32>,
      %broadcast_in_dim3A_62 = arith.constant 0.000000e+00 : f32
      %broadcast_in_dim3A_63 = vector.broadcast %broadcast_in_dim3A_62 : f32 to vector<16xf32>
      %swap3A_64 = arith.index_cast %scan3A_28 : i32 to index
      %swap3A_65 = arith.constant 80 : index
      %swap3A_66 = tpu.vector_load %arg9[%swap3A_64, %swap3A_65] {strides = array<i32>} : memref<80x128xf32, #tpu.memory_space<vmem>>, vector<1x16xf32>,
      %swap3A_67 = vector.shape_cast %swap3A_66 : vector<1x16xf32> to vector<16xf32>
      %swap3A_68 = vector.shape_cast %broadcast_in_dim3A_63 : vector<16xf32> to vector<1x16xf32>
      tpu.vector_store %arg9[%swap3A_64, %swap3A_65], %swap3A_68 {strides = array<i32>} : memref<80x128xf32, #tpu.memory_space<vmem>>, vector<1x16xf32>,
      %broadcast_in_dim3A_69 = arith.constant 0.000000e+00 : f32
      %broadcast_in_dim3A_70 = vector.broadcast %broadcast_in_dim3A_69 : f32 to vector<16xf32>
      %swap3A_71 = arith.index_cast %scan3A_28 : i32 to index
      %swap3A_72 = arith.constant 96 : index
      %swap3A_73 = tpu.vector_load %arg9[%swap3A_71, %swap3A_72] {strides = array<i32>} : memref<80x128xf32, #tpu.memory_space<vmem>>, vector<1x16xf32>,
      %swap3A_74 = vector.shape_cast %swap3A_73 : vector<1x16xf32> to vector<16xf32>
      %swap3A_75 = vector.shape_cast %broadcast_in_dim3A_70 : vector<16xf32> to vector<1x16xf32>
      tpu.vector_store %arg9[%swap3A_71, %swap3A_72], %swap3A_75 {strides = array<i32>} : memref<80x128xf32, #tpu.memory_space<vmem>>, vector<1x16xf32>,
      %broadcast_in_dim3A_76 = arith.constant 0.000000e+00 : f32
      %broadcast_in_dim3A_77 = vector.broadcast %broadcast_in_dim3A_76 : f32 to vector<16xf32>
      %swap3A_78 = arith.index_cast %scan3A_28 : i32 to index
      %swap3A_79 = arith.constant 112 : index
      %swap3A_80 = tpu.vector_load %arg9[%swap3A_78, %swap3A_79] {strides = array<i32>} : memref<80x128xf32, #tpu.memory_space<vmem>>, vector<1x16xf32>,
      %swap3A_81 = vector.shape_cast %swap3A_80 : vector<1x16xf32> to vector<16xf32>
      %swap3A_82 = vector.shape_cast %broadcast_in_dim3A_77 : vector<16xf32> to vector<1x16xf32>
      tpu.vector_store %arg9[%swap3A_78, %swap3A_79], %swap3A_82 {strides = array<i32>} : memref<80x128xf32, #tpu.memory_space<vmem>>, vector<1x16xf32>,
    }
    %scan3A_5 = arith.constant 80 : i32
    %mul3A_6 = arith.constant 313 : i32
    %mul3A_7 = arith.muli %arg1, %mul3A_6 : i32
    %add3A = arith.constant 0 : i32
    %add3A_8 = arith.addi %mul3A_7, %add3A : i32
    "tpu.region"() ({
      %run_scoped3A = tpu.sem_alloc : memref<!tpu.dma_semaphore, #tpu.memory_space<semaphore_mem>>
      %dma_start3A = arith.constant 0 : i32
      %dma_start3A_28 = tpu.memref_slice %arg10[%add3A_8, %dma_start3A] : memref<5008x128xf32, #tpu.memory_space<vmem_shared>> -> memref<80x128xf32, #tpu.memory_space<vmem_shared>>
      %dma_start3A_29 = arith.constant 0 : i32
      %dma_start3A_30 = tpu.memref_slice %arg10[%add3A_8, %dma_start3A_29] : memref<5008x128xf32, #tpu.memory_space<vmem_shared>> -> memref<80x128xf32, #tpu.memory_space<vmem_shared>>
      tpu.enqueue_dma source(%arg9 : memref<80x128xf32, #tpu.memory_space<vmem>>) target(%dma_start3A_30 : memref<80x128xf32, #tpu.memory_space<vmem_shared>>) target_semaphore(%run_scoped3A : memref<!tpu.dma_semaphore, #tpu.memory_space<semaphore_mem>>)
      %dma_wait3A = arith.constant 0 : i32
      %dma_wait3A_31 = tpu.memref_slice %arg10[%add3A_8, %dma_wait3A] : memref<5008x128xf32, #tpu.memory_space<vmem_shared>> -> memref<80x128xf32, #tpu.memory_space<vmem_shared>>
      %dma_wait3A_32 = arith.constant 0 : i32
      %dma_wait3A_33 = tpu.memref_slice %arg10[%add3A_8, %dma_wait3A_32] : memref<5008x128xf32, #tpu.memory_space<vmem_shared>> -> memref<80x128xf32, #tpu.memory_space<vmem_shared>>
      tpu.wait_dma2 semaphore(%run_scoped3A : memref<!tpu.dma_semaphore, #tpu.memory_space<semaphore_mem>>) src(%arg9 : memref<80x128xf32, #tpu.memory_space<vmem>>) dst(%dma_wait3A_33 : memref<80x128xf32, #tpu.memory_space<vmem_shared>>)
      tpu.yield
    }) : () -> ()
    %add3A_9 = arith.constant 80 : i32
    %add3A_10 = arith.addi %mul3A_7, %add3A_9 : i32
    "tpu.region"() ({
      %run_scoped3A = tpu.sem_alloc : memref<!tpu.dma_semaphore, #tpu.memory_space<semaphore_mem>>
      %dma_start3A = arith.constant 0 : i32
      %dma_start3A_28 = tpu.memref_slice %arg10[%add3A_10, %dma_start3A] : memref<5008x128xf32, #tpu.memory_space<vmem_shared>> -> memref<80x128xf32, #tpu.memory_space<vmem_shared>>
      %dma_start3A_29 = arith.constant 0 : i32
      %dma_start3A_30 = tpu.memref_slice %arg10[%add3A_10, %dma_start3A_29] : memref<5008x128xf32, #tpu.memory_space<vmem_shared>> -> memref<80x128xf32, #tpu.memory_space<vmem_shared>>
      tpu.enqueue_dma source(%arg9 : memref<80x128xf32, #tpu.memory_space<vmem>>) target(%dma_start3A_30 : memref<80x128xf32, #tpu.memory_space<vmem_shared>>) target_semaphore(%run_scoped3A : memref<!tpu.dma_semaphore, #tpu.memory_space<semaphore_mem>>)
      %dma_wait3A = arith.constant 0 : i32
      %dma_wait3A_31 = tpu.memref_slice %arg10[%add3A_10, %dma_wait3A] : memref<5008x128xf32, #tpu.memory_space<vmem_shared>> -> memref<80x128xf32, #tpu.memory_space<vmem_shared>>
      %dma_wait3A_32 = arith.constant 0 : i32
      %dma_wait3A_33 = tpu.memref_slice %arg10[%add3A_10, %dma_wait3A_32] : memref<5008x128xf32, #tpu.memory_space<vmem_shared>> -> memref<80x128xf32, #tpu.memory_space<vmem_shared>>
      tpu.wait_dma2 semaphore(%run_scoped3A : memref<!tpu.dma_semaphore, #tpu.memory_space<semaphore_mem>>) src(%arg9 : memref<80x128xf32, #tpu.memory_space<vmem>>) dst(%dma_wait3A_33 : memref<80x128xf32, #tpu.memory_space<vmem_shared>>)
      tpu.yield
    }) : () -> ()
    %add3A_11 = arith.constant 160 : i32
    %add3A_12 = arith.addi %mul3A_7, %add3A_11 : i32
    "tpu.region"() ({
      %run_scoped3A = tpu.sem_alloc : memref<!tpu.dma_semaphore, #tpu.memory_space<semaphore_mem>>
      %dma_start3A = arith.constant 0 : i32
      %dma_start3A_28 = tpu.memref_slice %arg10[%add3A_12, %dma_start3A] : memref<5008x128xf32, #tpu.memory_space<vmem_shared>> -> memref<80x128xf32, #tpu.memory_space<vmem_shared>>
      %dma_start3A_29 = arith.constant 0 : i32
      %dma_start3A_30 = tpu.memref_slice %arg10[%add3A_12, %dma_start3A_29] : memref<5008x128xf32, #tpu.memory_space<vmem_shared>> -> memref<80x128xf32, #tpu.memory_space<vmem_shared>>
      tpu.enqueue_dma source(%arg9 : memref<80x128xf32, #tpu.memory_space<vmem>>) target(%dma_start3A_30 : memref<80x128xf32, #tpu.memory_space<vmem_shared>>) target_semaphore(%run_scoped3A : memref<!tpu.dma_semaphore, #tpu.memory_space<semaphore_mem>>)
      %dma_wait3A = arith.constant 0 : i32
      %dma_wait3A_31 = tpu.memref_slice %arg10[%add3A_12, %dma_wait3A] : memref<5008x128xf32, #tpu.memory_space<vmem_shared>> -> memref<80x128xf32, #tpu.memory_space<vmem_shared>>
      %dma_wait3A_32 = arith.constant 0 : i32
      %dma_wait3A_33 = tpu.memref_slice %arg10[%add3A_12, %dma_wait3A_32] : memref<5008x128xf32, #tpu.memory_space<vmem_shared>> -> memref<80x128xf32, #tpu.memory_space<vmem_shared>>
      tpu.wait_dma2 semaphore(%run_scoped3A : memref<!tpu.dma_semaphore, #tpu.memory_space<semaphore_mem>>) src(%arg9 : memref<80x128xf32, #tpu.memory_space<vmem>>) dst(%dma_wait3A_33 : memref<80x128xf32, #tpu.memory_space<vmem_shared>>)
      tpu.yield
    }) : () -> ()
    %add3A_13 = arith.constant 240 : i32
    %add3A_14 = arith.addi %mul3A_7, %add3A_13 : i32
    "tpu.region"() ({
      %run_scoped3A = tpu.sem_alloc : memref<!tpu.dma_semaphore, #tpu.memory_space<semaphore_mem>>
      %dma_start3A = arith.constant 0 : i32
      %dma_start3A_28 = arith.constant 0 : i32
      %dma_start3A_29 = tpu.memref_slice %arg9[%dma_start3A, %dma_start3A_28] : memref<80x128xf32, #tpu.memory_space<vmem>> -> memref<73x128xf32, #tpu.memory_space<vmem>>
      %dma_start3A_30 = arith.constant 0 : i32
      %dma_start3A_31 = tpu.memref_slice %arg10[%add3A_14, %dma_start3A_30] : memref<5008x128xf32, #tpu.memory_space<vmem_shared>> -> memref<73x128xf32, #tpu.memory_space<vmem_shared>>
      %dma_start3A_32 = arith.constant 0 : i32
      %dma_start3A_33 = tpu.memref_slice %arg10[%add3A_14, %dma_start3A_32] : memref<5008x128xf32, #tpu.memory_space<vmem_shared>> -> memref<73x128xf32, #tpu.memory_space<vmem_shared>>
      %dma_start3A_34 = arith.constant 0 : i32
      %dma_start3A_35 = arith.constant 0 : i32
      %dma_start3A_36 = tpu.memref_slice %arg9[%dma_start3A_34, %dma_start3A_35] : memref<80x128xf32, #tpu.memory_space<vmem>> -> memref<73x128xf32, #tpu.memory_space<vmem>>
      tpu.enqueue_dma source(%dma_start3A_36 : memref<73x128xf32, #tpu.memory_space<vmem>>) target(%dma_start3A_33 : memref<73x128xf32, #tpu.memory_space<vmem_shared>>) target_semaphore(%run_scoped3A : memref<!tpu.dma_semaphore, #tpu.memory_space<semaphore_mem>>)
      %dma_wait3A = arith.constant 0 : i32
      %dma_wait3A_37 = arith.constant 0 : i32
      %dma_wait3A_38 = tpu.memref_slice %arg9[%dma_wait3A, %dma_wait3A_37] : memref<80x128xf32, #tpu.memory_space<vmem>> -> memref<73x128xf32, #tpu.memory_space<vmem>>
      %dma_wait3A_39 = arith.constant 0 : i32
      %dma_wait3A_40 = tpu.memref_slice %arg10[%add3A_14, %dma_wait3A_39] : memref<5008x128xf32, #tpu.memory_space<vmem_shared>> -> memref<73x128xf32, #tpu.memory_space<vmem_shared>>
      %dma_wait3A_41 = arith.constant 0 : i32
      %dma_wait3A_42 = tpu.memref_slice %arg10[%add3A_14, %dma_wait3A_41] : memref<5008x128xf32, #tpu.memory_space<vmem_shared>> -> memref<73x128xf32, #tpu.memory_space<vmem_shared>>
      %dma_wait3A_43 = arith.constant 0 : i32
      %dma_wait3A_44 = arith.constant 0 : i32
      %dma_wait3A_45 = tpu.memref_slice %arg9[%dma_wait3A_43, %dma_wait3A_44] : memref<80x128xf32, #tpu.memory_space<vmem>> -> memref<73x128xf32, #tpu.memory_space<vmem>>
      tpu.wait_dma2 semaphore(%run_scoped3A : memref<!tpu.dma_semaphore, #tpu.memory_space<semaphore_mem>>) src(%dma_wait3A_45 : memref<73x128xf32, #tpu.memory_space<vmem>>) dst(%dma_wait3A_42 : memref<73x128xf32, #tpu.memory_space<vmem_shared>>)
      tpu.yield
    }) : () -> ()
    "tpu.region"() ({
      %run_scoped3A = tpu.sem_alloc : memref<!tpu.dma_semaphore, #tpu.memory_space<semaphore_mem>>
      %dma_start3A = arith.constant 0 : i32
      %dma_start3A_28 = arith.constant 0 : i32
      %dma_start3A_29 = tpu.memref_slice %arg3[%arg1, %dma_start3A, %dma_start3A_28] : memref<16x125x80xi32, #tpu.memory_space<hbm>> -> memref<1x125x80xi32, #tpu.memory_space<hbm>>
      %dma_start3A_30 = tpu.memref_squeeze %dma_start3A_29 : memref<1x125x80xi32, #tpu.memory_space<hbm>> -> memref<125x80xi32, #tpu.memory_space<hbm>>
      %dma_start3A_31 = arith.constant 0 : i32
      %dma_start3A_32 = arith.constant 0 : i32
      %dma_start3A_33 = tpu.memref_slice %arg3[%arg1, %dma_start3A_31, %dma_start3A_32] : memref<16x125x80xi32, #tpu.memory_space<hbm>> -> memref<1x125x80xi32, #tpu.memory_space<hbm>>
      %dma_start3A_34 = tpu.memref_squeeze %dma_start3A_33 : memref<1x125x80xi32, #tpu.memory_space<hbm>> -> memref<125x80xi32, #tpu.memory_space<hbm>>
      tpu.enqueue_dma source(%dma_start3A_34 : memref<125x80xi32, #tpu.memory_space<hbm>>) target(%arg6 : memref<125x80xi32, #tpu.memory_space<vmem>>) target_semaphore(%run_scoped3A : memref<!tpu.dma_semaphore, #tpu.memory_space<semaphore_mem>>)
      %dma_wait3A = arith.constant 0 : i32
      %dma_wait3A_35 = arith.constant 0 : i32
      %dma_wait3A_36 = tpu.memref_slice %arg3[%arg1, %dma_wait3A, %dma_wait3A_35] : memref<16x125x80xi32, #tpu.memory_space<hbm>> -> memref<1x125x80xi32, #tpu.memory_space<hbm>>
      %dma_wait3A_37 = tpu.memref_squeeze %dma_wait3A_36 : memref<1x125x80xi32, #tpu.memory_space<hbm>> -> memref<125x80xi32, #tpu.memory_space<hbm>>
      %dma_wait3A_38 = arith.constant 0 : i32
      %dma_wait3A_39 = arith.constant 0 : i32
      %dma_wait3A_40 = tpu.memref_slice %arg3[%arg1, %dma_wait3A_38, %dma_wait3A_39] : memref<16x125x80xi32, #tpu.memory_space<hbm>> -> memref<1x125x80xi32, #tpu.memory_space<hbm>>
      %dma_wait3A_41 = tpu.memref_squeeze %dma_wait3A_40 : memref<1x125x80xi32, #tpu.memory_space<hbm>> -> memref<125x80xi32, #tpu.memory_space<hbm>>
      tpu.wait_dma2 semaphore(%run_scoped3A : memref<!tpu.dma_semaphore, #tpu.memory_space<semaphore_mem>>) src(%dma_wait3A_41 : memref<125x80xi32, #tpu.memory_space<hbm>>) dst(%arg6 : memref<125x80xi32, #tpu.memory_space<vmem>>)
      tpu.yield
    }) : () -> ()
    "tpu.region"() ({
      %run_scoped3A = tpu.sem_alloc : memref<!tpu.dma_semaphore, #tpu.memory_space<semaphore_mem>>
      %dma_start3A = arith.constant 0 : i32
      %dma_start3A_28 = arith.constant 0 : i32
      %dma_start3A_29 = tpu.memref_slice %arg4[%arg1, %dma_start3A, %dma_start3A_28] : memref<16x125x80xi32, #tpu.memory_space<hbm>> -> memref<1x125x80xi32, #tpu.memory_space<hbm>>
      %dma_start3A_30 = tpu.memref_squeeze %dma_start3A_29 : memref<1x125x80xi32, #tpu.memory_space<hbm>> -> memref<125x80xi32, #tpu.memory_space<hbm>>
      %dma_start3A_31 = arith.constant 0 : i32
      %dma_start3A_32 = arith.constant 0 : i32
      %dma_start3A_33 = tpu.memref_slice %arg4[%arg1, %dma_start3A_31, %dma_start3A_32] : memref<16x125x80xi32, #tpu.memory_space<hbm>> -> memref<1x125x80xi32, #tpu.memory_space<hbm>>
      %dma_start3A_34 = tpu.memref_squeeze %dma_start3A_33 : memref<1x125x80xi32, #tpu.memory_space<hbm>> -> memref<125x80xi32, #tpu.memory_space<hbm>>
      tpu.enqueue_dma source(%dma_start3A_34 : memref<125x80xi32, #tpu.memory_space<hbm>>) target(%arg7 : memref<125x80xi32, #tpu.memory_space<vmem>>) target_semaphore(%run_scoped3A : memref<!tpu.dma_semaphore, #tpu.memory_space<semaphore_mem>>)
      %dma_wait3A = arith.constant 0 : i32
      %dma_wait3A_35 = arith.constant 0 : i32
      %dma_wait3A_36 = tpu.memref_slice %arg4[%arg1, %dma_wait3A, %dma_wait3A_35] : memref<16x125x80xi32, #tpu.memory_space<hbm>> -> memref<1x125x80xi32, #tpu.memory_space<hbm>>
      %dma_wait3A_37 = tpu.memref_squeeze %dma_wait3A_36 : memref<1x125x80xi32, #tpu.memory_space<hbm>> -> memref<125x80xi32, #tpu.memory_space<hbm>>
      %dma_wait3A_38 = arith.constant 0 : i32
      %dma_wait3A_39 = arith.constant 0 : i32
      %dma_wait3A_40 = tpu.memref_slice %arg4[%arg1, %dma_wait3A_38, %dma_wait3A_39] : memref<16x125x80xi32, #tpu.memory_space<hbm>> -> memref<1x125x80xi32, #tpu.memory_space<hbm>>
      %dma_wait3A_41 = tpu.memref_squeeze %dma_wait3A_40 : memref<1x125x80xi32, #tpu.memory_space<hbm>> -> memref<125x80xi32, #tpu.memory_space<hbm>>
      tpu.wait_dma2 semaphore(%run_scoped3A : memref<!tpu.dma_semaphore, #tpu.memory_space<semaphore_mem>>) src(%dma_wait3A_41 : memref<125x80xi32, #tpu.memory_space<hbm>>) dst(%arg7 : memref<125x80xi32, #tpu.memory_space<vmem>>)
      tpu.yield
    }) : () -> ()
    %scan3A_15 = arith.constant 0 : i32
    %scan3A_16 = arith.constant 0 : i32
    %scan3A_17 = arith.constant 125 : i32
    %scan3A_18 = arith.addi %scan3A_16, %scan3A_17 : i32
    %scan3A_19 = arith.constant 1 : i32
    scf.for %scan3A_28 = %scan3A_16 to %scan3A_18 step %scan3A_19  : i32 {
      %get3A = arith.index_cast %scan3A_28 : i32 to index
      %get3A_29 = arith.constant 0 : index
      %get3A_30 = tpu.vector_load %arg7[%get3A, %get3A_29] {strides = array<i32>} : memref<125x80xi32, #tpu.memory_space<vmem>>, vector<1x16xi32>,
      %get3A_31 = vector.shape_cast %get3A_30 : vector<1x16xi32> to vector<16xi32>
      %sub3A = vector.broadcast %mul3A_0 : i32 to vector<16xi32>
      %sub3A_32 = arith.subi %get3A_31, %sub3A : vector<16xi32>
      %ge3A = arith.constant 0 : i32
      %ge3A_33 = vector.broadcast %ge3A : i32 to vector<16xi32>
      %ge3A_34 = arith.cmpi sge, %sub3A_32, %ge3A_33 : vector<16xi32>
      %lt3A = arith.constant 5000 : i32
      %lt3A_35 = vector.broadcast %lt3A : i32 to vector<16xi32>
      %lt3A_36 = arith.cmpi slt, %sub3A_32, %lt3A_35 : vector<16xi32>
      %and3A = arith.andi %ge3A_34, %lt3A_36 : vector<16xi1>
      %jit3A = arith.constant 5000 : i32
      %broadcast_in_dim3A = vector.broadcast %jit3A : i32 to vector<16xi32>
      %select_n3A = arith.select %and3A, %sub3A_32, %broadcast_in_dim3A : vector<16xi1>, vector<16xi32>
      %swap3A = arith.index_cast %scan3A_28 : i32 to index
      %swap3A_37 = arith.constant 0 : index
      %swap3A_38 = tpu.vector_load %arg8[%swap3A, %swap3A_37] {strides = array<i32>} : memref<125x80xi32, #tpu.memory_space<vmem>>, vector<1x16xi32>,
      %swap3A_39 = vector.shape_cast %swap3A_38 : vector<1x16xi32> to vector<16xi32>
      %swap3A_40 = vector.shape_cast %select_n3A : vector<16xi32> to vector<1x16xi32>
      tpu.vector_store %arg8[%swap3A, %swap3A_37], %swap3A_40 {strides = array<i32>} : memref<125x80xi32, #tpu.memory_space<vmem>>, vector<1x16xi32>,
      %get3A_41 = arith.index_cast %scan3A_28 : i32 to index
      %get3A_42 = arith.constant 16 : index
      %get3A_43 = tpu.vector_load %arg7[%get3A_41, %get3A_42] {strides = array<i32>} : memref<125x80xi32, #tpu.memory_space<vmem>>, vector<1x16xi32>,
      %get3A_44 = vector.shape_cast %get3A_43 : vector<1x16xi32> to vector<16xi32>
      %sub3A_45 = vector.broadcast %mul3A_0 : i32 to vector<16xi32>
      %sub3A_46 = arith.subi %get3A_44, %sub3A_45 : vector<16xi32>
      %ge3A_47 = arith.constant 0 : i32
      %ge3A_48 = vector.broadcast %ge3A_47 : i32 to vector<16xi32>
      %ge3A_49 = arith.cmpi sge, %sub3A_46, %ge3A_48 : vector<16xi32>
      %lt3A_50 = arith.constant 5000 : i32
      %lt3A_51 = vector.broadcast %lt3A_50 : i32 to vector<16xi32>
      %lt3A_52 = arith.cmpi slt, %sub3A_46, %lt3A_51 : vector<16xi32>
      %and3A_53 = arith.andi %ge3A_49, %lt3A_52 : vector<16xi1>
      %jit3A_54 = arith.constant 5000 : i32
      %broadcast_in_dim3A_55 = vector.broadcast %jit3A_54 : i32 to vector<16xi32>
      %select_n3A_56 = arith.select %and3A_53, %sub3A_46, %broadcast_in_dim3A_55 : vector<16xi1>, vector<16xi32>
      %swap3A_57 = arith.index_cast %scan3A_28 : i32 to index
      %swap3A_58 = arith.constant 16 : index
      %swap3A_59 = tpu.vector_load %arg8[%swap3A_57, %swap3A_58] {strides = array<i32>} : memref<125x80xi32, #tpu.memory_space<vmem>>, vector<1x16xi32>,
      %swap3A_60 = vector.shape_cast %swap3A_59 : vector<1x16xi32> to vector<16xi32>
      %swap3A_61 = vector.shape_cast %select_n3A_56 : vector<16xi32> to vector<1x16xi32>
      tpu.vector_store %arg8[%swap3A_57, %swap3A_58], %swap3A_61 {strides = array<i32>} : memref<125x80xi32, #tpu.memory_space<vmem>>, vector<1x16xi32>,
      %get3A_62 = arith.index_cast %scan3A_28 : i32 to index
      %get3A_63 = arith.constant 32 : index
      %get3A_64 = tpu.vector_load %arg7[%get3A_62, %get3A_63] {strides = array<i32>} : memref<125x80xi32, #tpu.memory_space<vmem>>, vector<1x16xi32>,
      %get3A_65 = vector.shape_cast %get3A_64 : vector<1x16xi32> to vector<16xi32>
      %sub3A_66 = vector.broadcast %mul3A_0 : i32 to vector<16xi32>
      %sub3A_67 = arith.subi %get3A_65, %sub3A_66 : vector<16xi32>
      %ge3A_68 = arith.constant 0 : i32
      %ge3A_69 = vector.broadcast %ge3A_68 : i32 to vector<16xi32>
      %ge3A_70 = arith.cmpi sge, %sub3A_67, %ge3A_69 : vector<16xi32>
      %lt3A_71 = arith.constant 5000 : i32
      %lt3A_72 = vector.broadcast %lt3A_71 : i32 to vector<16xi32>
      %lt3A_73 = arith.cmpi slt, %sub3A_67, %lt3A_72 : vector<16xi32>
      %and3A_74 = arith.andi %ge3A_70, %lt3A_73 : vector<16xi1>
      %jit3A_75 = arith.constant 5000 : i32
      %broadcast_in_dim3A_76 = vector.broadcast %jit3A_75 : i32 to vector<16xi32>
      %select_n3A_77 = arith.select %and3A_74, %sub3A_67, %broadcast_in_dim3A_76 : vector<16xi1>, vector<16xi32>
      %swap3A_78 = arith.index_cast %scan3A_28 : i32 to index
      %swap3A_79 = arith.constant 32 : index
      %swap3A_80 = tpu.vector_load %arg8[%swap3A_78, %swap3A_79] {strides = array<i32>} : memref<125x80xi32, #tpu.memory_space<vmem>>, vector<1x16xi32>,
      %swap3A_81 = vector.shape_cast %swap3A_80 : vector<1x16xi32> to vector<16xi32>
      %swap3A_82 = vector.shape_cast %select_n3A_77 : vector<16xi32> to vector<1x16xi32>
      tpu.vector_store %arg8[%swap3A_78, %swap3A_79], %swap3A_82 {strides = array<i32>} : memref<125x80xi32, #tpu.memory_space<vmem>>, vector<1x16xi32>,
      %get3A_83 = arith.index_cast %scan3A_28 : i32 to index
      %get3A_84 = arith.constant 48 : index
      %get3A_85 = tpu.vector_load %arg7[%get3A_83, %get3A_84] {strides = array<i32>} : memref<125x80xi32, #tpu.memory_space<vmem>>, vector<1x16xi32>,
      %get3A_86 = vector.shape_cast %get3A_85 : vector<1x16xi32> to vector<16xi32>
      %sub3A_87 = vector.broadcast %mul3A_0 : i32 to vector<16xi32>
      %sub3A_88 = arith.subi %get3A_86, %sub3A_87 : vector<16xi32>
      %ge3A_89 = arith.constant 0 : i32
      %ge3A_90 = vector.broadcast %ge3A_89 : i32 to vector<16xi32>
      %ge3A_91 = arith.cmpi sge, %sub3A_88, %ge3A_90 : vector<16xi32>
      %lt3A_92 = arith.constant 5000 : i32
      %lt3A_93 = vector.broadcast %lt3A_92 : i32 to vector<16xi32>
      %lt3A_94 = arith.cmpi slt, %sub3A_88, %lt3A_93 : vector<16xi32>
      %and3A_95 = arith.andi %ge3A_91, %lt3A_94 : vector<16xi1>
      %jit3A_96 = arith.constant 5000 : i32
      %broadcast_in_dim3A_97 = vector.broadcast %jit3A_96 : i32 to vector<16xi32>
      %select_n3A_98 = arith.select %and3A_95, %sub3A_88, %broadcast_in_dim3A_97 : vector<16xi1>, vector<16xi32>
      %swap3A_99 = arith.index_cast %scan3A_28 : i32 to index
      %swap3A_100 = arith.constant 48 : index
      %swap3A_101 = tpu.vector_load %arg8[%swap3A_99, %swap3A_100] {strides = array<i32>} : memref<125x80xi32, #tpu.memory_space<vmem>>, vector<1x16xi32>,
      %swap3A_102 = vector.shape_cast %swap3A_101 : vector<1x16xi32> to vector<16xi32>
      %swap3A_103 = vector.shape_cast %select_n3A_98 : vector<16xi32> to vector<1x16xi32>
      tpu.vector_store %arg8[%swap3A_99, %swap3A_100], %swap3A_103 {strides = array<i32>} : memref<125x80xi32, #tpu.memory_space<vmem>>, vector<1x16xi32>,
      %get3A_104 = arith.index_cast %scan3A_28 : i32 to index
      %get3A_105 = arith.constant 64 : index
      %get3A_106 = tpu.vector_load %arg7[%get3A_104, %get3A_105] {strides = array<i32>} : memref<125x80xi32, #tpu.memory_space<vmem>>, vector<1x16xi32>,
      %get3A_107 = vector.shape_cast %get3A_106 : vector<1x16xi32> to vector<16xi32>
      %sub3A_108 = vector.broadcast %mul3A_0 : i32 to vector<16xi32>
      %sub3A_109 = arith.subi %get3A_107, %sub3A_108 : vector<16xi32>
      %ge3A_110 = arith.constant 0 : i32
      %ge3A_111 = vector.broadcast %ge3A_110 : i32 to vector<16xi32>
      %ge3A_112 = arith.cmpi sge, %sub3A_109, %ge3A_111 : vector<16xi32>
      %lt3A_113 = arith.constant 5000 : i32
      %lt3A_114 = vector.broadcast %lt3A_113 : i32 to vector<16xi32>
      %lt3A_115 = arith.cmpi slt, %sub3A_109, %lt3A_114 : vector<16xi32>
      %and3A_116 = arith.andi %ge3A_112, %lt3A_115 : vector<16xi1>
      %jit3A_117 = arith.constant 5000 : i32
      %broadcast_in_dim3A_118 = vector.broadcast %jit3A_117 : i32 to vector<16xi32>
      %select_n3A_119 = arith.select %and3A_116, %sub3A_109, %broadcast_in_dim3A_118 : vector<16xi1>, vector<16xi32>
      %swap3A_120 = arith.index_cast %scan3A_28 : i32 to index
      %swap3A_121 = arith.constant 64 : index
      %swap3A_122 = tpu.vector_load %arg8[%swap3A_120, %swap3A_121] {strides = array<i32>} : memref<125x80xi32, #tpu.memory_space<vmem>>, vector<1x16xi32>,
      %swap3A_123 = vector.shape_cast %swap3A_122 : vector<1x16xi32> to vector<16xi32>
      %swap3A_124 = vector.shape_cast %select_n3A_119 : vector<16xi32> to vector<1x16xi32>
      tpu.vector_store %arg8[%swap3A_120, %swap3A_121], %swap3A_124 {strides = array<i32>} : memref<125x80xi32, #tpu.memory_space<vmem>>, vector<1x16xi32>,
    }
    %scan3A_20 = arith.constant 125 : i32
    %barrier3A = arith.constant 0 : index
    tpu.barrier barrier_id(%barrier3A)
    %scan3A_21 = arith.constant 0 : i32
    %scan3A_22 = arith.constant 0 : i32
    %scan3A_23 = arith.constant 125 : i32
    %scan3A_24 = arith.addi %scan3A_22, %scan3A_23 : i32
    %scan3A_25 = arith.constant 1 : i32
    scf.for %scan3A_28 = %scan3A_22 to %scan3A_24 step %scan3A_25  : i32 {
      %dma_start3A = arith.constant 0 : i32
      %dma_start3A_29 = tpu.memref_slice %arg6[%scan3A_28, %dma_start3A] : memref<125x80xi32, #tpu.memory_space<vmem>> -> memref<1x80xi32, #tpu.memory_space<vmem>>
      %dma_start3A_30 = tpu.memref_squeeze %dma_start3A_29 : memref<1x80xi32, #tpu.memory_space<vmem>> -> memref<80xi32, #tpu.memory_space<vmem>>
      %dma_start3A_31 = arith.constant 0 : i32
      %dma_start3A_32 = arith.constant 0 : i32
      %dma_start3A_33 = tpu.memref_slice %arg2[%dma_start3A_31, %dma_start3A_32] : memref<10000x128xf32, #tpu.memory_space<hbm>> -> memref<10000x128xf32, #tpu.memory_space<hbm>>
      tpu.enqueue_indirect_dma source(%dma_start3A_33 : memref<10000x128xf32, #tpu.memory_space<hbm>>) target(%arg9 : memref<80x128xf32, #tpu.memory_space<vmem>>) offsets(%dma_start3A_30 : memref<80xi32, #tpu.memory_space<vmem>>) semaphore(%arg11 : memref<!tpu.dma_semaphore, #tpu.memory_space<semaphore_mem>>)
      %dma_wait3A = arith.constant 0 : i32
      %dma_wait3A_34 = tpu.memref_slice %arg6[%scan3A_28, %dma_wait3A] : memref<125x80xi32, #tpu.memory_space<vmem>> -> memref<1x80xi32, #tpu.memory_space<vmem>>
      %dma_wait3A_35 = tpu.memref_squeeze %dma_wait3A_34 : memref<1x80xi32, #tpu.memory_space<vmem>> -> memref<80xi32, #tpu.memory_space<vmem>>
      %dma_wait3A_36 = arith.constant 0 : i32
      %dma_wait3A_37 = arith.constant 0 : i32
      %dma_wait3A_38 = tpu.memref_slice %arg2[%dma_wait3A_36, %dma_wait3A_37] : memref<10000x128xf32, #tpu.memory_space<hbm>> -> memref<10000x128xf32, #tpu.memory_space<hbm>>
      tpu.wait_indirect_dma semaphore(%arg11 : memref<!tpu.dma_semaphore, #tpu.memory_space<semaphore_mem>>) src(%dma_wait3A_38 : memref<10000x128xf32, #tpu.memory_space<hbm>>) dst(%arg9 : memref<80x128xf32, #tpu.memory_space<vmem>>)
      "tpu.region"() ({
        %run_scoped3A = tpu.sem_alloc : memref<!tpu.dma_semaphore, #tpu.memory_space<semaphore_mem>>
        %dma_start3A_39 = arith.constant 0 : i32
        %dma_start3A_40 = tpu.memref_slice %arg8[%scan3A_28, %dma_start3A_39] : memref<125x80xi32, #tpu.memory_space<vmem>> -> memref<1x80xi32, #tpu.memory_space<vmem>>
        %dma_start3A_41 = tpu.memref_squeeze %dma_start3A_40 : memref<1x80xi32, #tpu.memory_space<vmem>> -> memref<80xi32, #tpu.memory_space<vmem>>
        %dma_start3A_42 = arith.constant 0 : i32
        %dma_start3A_43 = arith.constant 0 : i32
        %dma_start3A_44 = tpu.memref_slice %arg10[%dma_start3A_42, %dma_start3A_43] : memref<5008x128xf32, #tpu.memory_space<vmem_shared>> -> memref<5008x128xf32, #tpu.memory_space<vmem_shared>>
        tpu.enqueue_indirect_dma source(%arg9 : memref<80x128xf32, #tpu.memory_space<vmem>>) target(%dma_start3A_44 : memref<5008x128xf32, #tpu.memory_space<vmem_shared>>) offsets(%dma_start3A_41 : memref<80xi32, #tpu.memory_space<vmem>>) semaphore(%run_scoped3A : memref<!tpu.dma_semaphore, #tpu.memory_space<semaphore_mem>>) {add = true}
        %dma_wait3A_45 = arith.constant 0 : i32
        %dma_wait3A_46 = tpu.memref_slice %arg8[%scan3A_28, %dma_wait3A_45] : memref<125x80xi32, #tpu.memory_space<vmem>> -> memref<1x80xi32, #tpu.memory_space<vmem>>
        %dma_wait3A_47 = tpu.memref_squeeze %dma_wait3A_46 : memref<1x80xi32, #tpu.memory_space<vmem>> -> memref<80xi32, #tpu.memory_space<vmem>>
        %dma_wait3A_48 = arith.constant 0 : i32
        %dma_wait3A_49 = arith.constant 0 : i32
        %dma_wait3A_50 = tpu.memref_slice %arg10[%dma_wait3A_48, %dma_wait3A_49] : memref<5008x128xf32, #tpu.memory_space<vmem_shared>> -> memref<5008x128xf32, #tpu.memory_space<vmem_shared>>
        tpu.wait_indirect_dma semaphore(%run_scoped3A : memref<!tpu.dma_semaphore, #tpu.memory_space<semaphore_mem>>) src(%arg9 : memref<80x128xf32, #tpu.memory_space<vmem>>) dst(%dma_wait3A_50 : memref<5008x128xf32, #tpu.memory_space<vmem_shared>>)
        tpu.yield
      }) : () -> ()
    }
    %scan3A_26 = arith.constant 125 : i32
    %barrier3A_27 = arith.constant 0 : index
    tpu.barrier barrier_id(%barrier3A_27)
    "tpu.region"() ({
      %run_scoped3A = tpu.sem_alloc : memref<!tpu.dma_semaphore, #tpu.memory_space<semaphore_mem>>
      %dma_start3A = arith.constant 0 : i32
      %dma_start3A_28 = arith.constant 0 : i32
      %dma_start3A_29 = tpu.memref_slice %arg5[%arg0, %arg1, %dma_start3A, %dma_start3A_28] : memref<2x16x313x128xf32, #tpu.memory_space<hbm>> -> memref<1x1x313x128xf32, #tpu.memory_space<hbm>>
      %dma_start3A_30 = tpu.memref_squeeze %dma_start3A_29 : memref<1x1x313x128xf32, #tpu.memory_space<hbm>> -> memref<313x128xf32, #tpu.memory_space<hbm>>
      %dma_start3A_31 = arith.constant 0 : i32
      %dma_start3A_32 = tpu.memref_slice %arg10[%mul3A_7, %dma_start3A_31] : memref<5008x128xf32, #tpu.memory_space<vmem_shared>> -> memref<313x128xf32, #tpu.memory_space<vmem_shared>>
      tpu.enqueue_dma source(%dma_start3A_32 : memref<313x128xf32, #tpu.memory_space<vmem_shared>>) target(%dma_start3A_30 : memref<313x128xf32, #tpu.memory_space<hbm>>) target_semaphore(%run_scoped3A : memref<!tpu.dma_semaphore, #tpu.memory_space<semaphore_mem>>)
      %dma_wait3A = arith.constant 0 : i32
      %dma_wait3A_33 = arith.constant 0 : i32
      %dma_wait3A_34 = tpu.memref_slice %arg5[%arg0, %arg1, %dma_wait3A, %dma_wait3A_33] : memref<2x16x313x128xf32, #tpu.memory_space<hbm>> -> memref<1x1x313x128xf32, #tpu.memory_space<hbm>>
      %dma_wait3A_35 = tpu.memref_squeeze %dma_wait3A_34 : memref<1x1x313x128xf32, #tpu.memory_space<hbm>> -> memref<313x128xf32, #tpu.memory_space<hbm>>
      %dma_wait3A_36 = arith.constant 0 : i32
      %dma_wait3A_37 = tpu.memref_slice %arg10[%mul3A_7, %dma_wait3A_36] : memref<5008x128xf32, #tpu.memory_space<vmem_shared>> -> memref<313x128xf32, #tpu.memory_space<vmem_shared>>
      tpu.wait_dma2 semaphore(%run_scoped3A : memref<!tpu.dma_semaphore, #tpu.memory_space<semaphore_mem>>) src(%dma_wait3A_37 : memref<313x128xf32, #tpu.memory_space<vmem_shared>>) dst(%dma_wait3A_35 : memref<313x128xf32, #tpu.memory_space<hbm>>)
      tpu.yield
    }) : () -> ()
    return
  }
}

#map = affine_map<(d0, d1) -> (0, 0)>
#map1 = affine_map<(d0, d1) -> (0, 0, 0, 0)>
#map2 = affine_map<(d0, d1) -> (0, 0, 0)>
module attributes {stable_mosaic.version = 14 : i64} {
  func.func @agg1(%arg0: i32, %arg1: i32, %arg2: memref<20000x128xf32, #tpu.memory_space<hbm>>, %arg3: memref<2x16x80x125xi32, #tpu.memory_space<hbm>>, %arg4: memref<16x80x125xi32, #tpu.memory_space<hbm>>, %arg5: memref<2x16x625x128xf32, #tpu.memory_space<hbm>>, %arg6: memref<80x125xi32, #tpu.memory_space<vmem>>, %arg7: memref<80x125xi32, #tpu.memory_space<vmem>>, %arg8: memref<125x128xf32, #tpu.memory_space<vmem>>, %arg9: memref<10000x128xf32, #tpu.memory_space<vmem_shared>>, %arg10: memref<!tpu.dma_semaphore, #tpu.memory_space<semaphore_mem>>) attributes {dimension_semantics = [#tpu.dimension_semantics<core_parallel>, #tpu.dimension_semantics<subcore_parallel>], iteration_bounds = array<i64: 2, 16>, scalar_prefetch = 0 : i64, scratch_operands = 5 : i64, tpu.core_type = #tpu.core_type<sc_vector_subcore>, window_params = [{transform_indices = #map}, {transform_indices = #map1}, {transform_indices = #map2}, {transform_indices = #map1}]} {
    %scan3A = arith.constant 0 : i32
    %scan3A_0 = arith.constant 0 : i32
    %scan3A_1 = arith.constant 125 : i32
    %scan3A_2 = arith.addi %scan3A_0, %scan3A_1 : i32
    %scan3A_3 = arith.constant 1 : i32
    scf.for %scan3A_32 = %scan3A_0 to %scan3A_2 step %scan3A_3  : i32 {
      %broadcast_in_dim3A = arith.constant 0.000000e+00 : f32
      %broadcast_in_dim3A_33 = vector.broadcast %broadcast_in_dim3A : f32 to vector<16xf32>
      %swap3A = arith.index_cast %scan3A_32 : i32 to index
      %swap3A_34 = arith.constant 0 : index
      %swap3A_35 = tpu.vector_load %arg8[%swap3A, %swap3A_34] {strides = array<i32>} : memref<125x128xf32, #tpu.memory_space<vmem>>, vector<1x16xf32>,
      %swap3A_36 = vector.shape_cast %swap3A_35 : vector<1x16xf32> to vector<16xf32>
      %swap3A_37 = vector.shape_cast %broadcast_in_dim3A_33 : vector<16xf32> to vector<1x16xf32>
      tpu.vector_store %arg8[%swap3A, %swap3A_34], %swap3A_37 {strides = array<i32>} : memref<125x128xf32, #tpu.memory_space<vmem>>, vector<1x16xf32>,
      %broadcast_in_dim3A_38 = arith.constant 0.000000e+00 : f32
      %broadcast_in_dim3A_39 = vector.broadcast %broadcast_in_dim3A_38 : f32 to vector<16xf32>
      %swap3A_40 = arith.index_cast %scan3A_32 : i32 to index
      %swap3A_41 = arith.constant 16 : index
      %swap3A_42 = tpu.vector_load %arg8[%swap3A_40, %swap3A_41] {strides = array<i32>} : memref<125x128xf32, #tpu.memory_space<vmem>>, vector<1x16xf32>,
      %swap3A_43 = vector.shape_cast %swap3A_42 : vector<1x16xf32> to vector<16xf32>
      %swap3A_44 = vector.shape_cast %broadcast_in_dim3A_39 : vector<16xf32> to vector<1x16xf32>
      tpu.vector_store %arg8[%swap3A_40, %swap3A_41], %swap3A_44 {strides = array<i32>} : memref<125x128xf32, #tpu.memory_space<vmem>>, vector<1x16xf32>,
      %broadcast_in_dim3A_45 = arith.constant 0.000000e+00 : f32
      %broadcast_in_dim3A_46 = vector.broadcast %broadcast_in_dim3A_45 : f32 to vector<16xf32>
      %swap3A_47 = arith.index_cast %scan3A_32 : i32 to index
      %swap3A_48 = arith.constant 32 : index
      %swap3A_49 = tpu.vector_load %arg8[%swap3A_47, %swap3A_48] {strides = array<i32>} : memref<125x128xf32, #tpu.memory_space<vmem>>, vector<1x16xf32>,
      %swap3A_50 = vector.shape_cast %swap3A_49 : vector<1x16xf32> to vector<16xf32>
      %swap3A_51 = vector.shape_cast %broadcast_in_dim3A_46 : vector<16xf32> to vector<1x16xf32>
      tpu.vector_store %arg8[%swap3A_47, %swap3A_48], %swap3A_51 {strides = array<i32>} : memref<125x128xf32, #tpu.memory_space<vmem>>, vector<1x16xf32>,
      %broadcast_in_dim3A_52 = arith.constant 0.000000e+00 : f32
      %broadcast_in_dim3A_53 = vector.broadcast %broadcast_in_dim3A_52 : f32 to vector<16xf32>
      %swap3A_54 = arith.index_cast %scan3A_32 : i32 to index
      %swap3A_55 = arith.constant 48 : index
      %swap3A_56 = tpu.vector_load %arg8[%swap3A_54, %swap3A_55] {strides = array<i32>} : memref<125x128xf32, #tpu.memory_space<vmem>>, vector<1x16xf32>,
      %swap3A_57 = vector.shape_cast %swap3A_56 : vector<1x16xf32> to vector<16xf32>
      %swap3A_58 = vector.shape_cast %broadcast_in_dim3A_53 : vector<16xf32> to vector<1x16xf32>
      tpu.vector_store %arg8[%swap3A_54, %swap3A_55], %swap3A_58 {strides = array<i32>} : memref<125x128xf32, #tpu.memory_space<vmem>>, vector<1x16xf32>,
      %broadcast_in_dim3A_59 = arith.constant 0.000000e+00 : f32
      %broadcast_in_dim3A_60 = vector.broadcast %broadcast_in_dim3A_59 : f32 to vector<16xf32>
      %swap3A_61 = arith.index_cast %scan3A_32 : i32 to index
      %swap3A_62 = arith.constant 64 : index
      %swap3A_63 = tpu.vector_load %arg8[%swap3A_61, %swap3A_62] {strides = array<i32>} : memref<125x128xf32, #tpu.memory_space<vmem>>, vector<1x16xf32>,
      %swap3A_64 = vector.shape_cast %swap3A_63 : vector<1x16xf32> to vector<16xf32>
      %swap3A_65 = vector.shape_cast %broadcast_in_dim3A_60 : vector<16xf32> to vector<1x16xf32>
      tpu.vector_store %arg8[%swap3A_61, %swap3A_62], %swap3A_65 {strides = array<i32>} : memref<125x128xf32, #tpu.memory_space<vmem>>, vector<1x16xf32>,
      %broadcast_in_dim3A_66 = arith.constant 0.000000e+00 : f32
      %broadcast_in_dim3A_67 = vector.broadcast %broadcast_in_dim3A_66 : f32 to vector<16xf32>
      %swap3A_68 = arith.index_cast %scan3A_32 : i32 to index
      %swap3A_69 = arith.constant 80 : index
      %swap3A_70 = tpu.vector_load %arg8[%swap3A_68, %swap3A_69] {strides = array<i32>} : memref<125x128xf32, #tpu.memory_space<vmem>>, vector<1x16xf32>,
      %swap3A_71 = vector.shape_cast %swap3A_70 : vector<1x16xf32> to vector<16xf32>
      %swap3A_72 = vector.shape_cast %broadcast_in_dim3A_67 : vector<16xf32> to vector<1x16xf32>
      tpu.vector_store %arg8[%swap3A_68, %swap3A_69], %swap3A_72 {strides = array<i32>} : memref<125x128xf32, #tpu.memory_space<vmem>>, vector<1x16xf32>,
      %broadcast_in_dim3A_73 = arith.constant 0.000000e+00 : f32
      %broadcast_in_dim3A_74 = vector.broadcast %broadcast_in_dim3A_73 : f32 to vector<16xf32>
      %swap3A_75 = arith.index_cast %scan3A_32 : i32 to index
      %swap3A_76 = arith.constant 96 : index
      %swap3A_77 = tpu.vector_load %arg8[%swap3A_75, %swap3A_76] {strides = array<i32>} : memref<125x128xf32, #tpu.memory_space<vmem>>, vector<1x16xf32>,
      %swap3A_78 = vector.shape_cast %swap3A_77 : vector<1x16xf32> to vector<16xf32>
      %swap3A_79 = vector.shape_cast %broadcast_in_dim3A_74 : vector<16xf32> to vector<1x16xf32>
      tpu.vector_store %arg8[%swap3A_75, %swap3A_76], %swap3A_79 {strides = array<i32>} : memref<125x128xf32, #tpu.memory_space<vmem>>, vector<1x16xf32>,
      %broadcast_in_dim3A_80 = arith.constant 0.000000e+00 : f32
      %broadcast_in_dim3A_81 = vector.broadcast %broadcast_in_dim3A_80 : f32 to vector<16xf32>
      %swap3A_82 = arith.index_cast %scan3A_32 : i32 to index
      %swap3A_83 = arith.constant 112 : index
      %swap3A_84 = tpu.vector_load %arg8[%swap3A_82, %swap3A_83] {strides = array<i32>} : memref<125x128xf32, #tpu.memory_space<vmem>>, vector<1x16xf32>,
      %swap3A_85 = vector.shape_cast %swap3A_84 : vector<1x16xf32> to vector<16xf32>
      %swap3A_86 = vector.shape_cast %broadcast_in_dim3A_81 : vector<16xf32> to vector<1x16xf32>
      tpu.vector_store %arg8[%swap3A_82, %swap3A_83], %swap3A_86 {strides = array<i32>} : memref<125x128xf32, #tpu.memory_space<vmem>>, vector<1x16xf32>,
    }
    %scan3A_4 = arith.constant 125 : i32
    %mul3A = arith.constant 625 : i32
    %mul3A_5 = arith.muli %arg1, %mul3A : i32
    %add3A = arith.constant 0 : i32
    %add3A_6 = arith.addi %mul3A_5, %add3A : i32
    "tpu.region"() ({
      %run_scoped3A = tpu.sem_alloc : memref<!tpu.dma_semaphore, #tpu.memory_space<semaphore_mem>>
      %dma_start3A = arith.constant 0 : i32
      %dma_start3A_32 = tpu.memref_slice %arg9[%add3A_6, %dma_start3A] : memref<10000x128xf32, #tpu.memory_space<vmem_shared>> -> memref<125x128xf32, #tpu.memory_space<vmem_shared>>
      %dma_start3A_33 = arith.constant 0 : i32
      %dma_start3A_34 = tpu.memref_slice %arg9[%add3A_6, %dma_start3A_33] : memref<10000x128xf32, #tpu.memory_space<vmem_shared>> -> memref<125x128xf32, #tpu.memory_space<vmem_shared>>
      tpu.enqueue_dma source(%arg8 : memref<125x128xf32, #tpu.memory_space<vmem>>) target(%dma_start3A_34 : memref<125x128xf32, #tpu.memory_space<vmem_shared>>) target_semaphore(%run_scoped3A : memref<!tpu.dma_semaphore, #tpu.memory_space<semaphore_mem>>)
      %dma_wait3A = arith.constant 0 : i32
      %dma_wait3A_35 = tpu.memref_slice %arg9[%add3A_6, %dma_wait3A] : memref<10000x128xf32, #tpu.memory_space<vmem_shared>> -> memref<125x128xf32, #tpu.memory_space<vmem_shared>>
      %dma_wait3A_36 = arith.constant 0 : i32
      %dma_wait3A_37 = tpu.memref_slice %arg9[%add3A_6, %dma_wait3A_36] : memref<10000x128xf32, #tpu.memory_space<vmem_shared>> -> memref<125x128xf32, #tpu.memory_space<vmem_shared>>
      tpu.wait_dma2 semaphore(%run_scoped3A : memref<!tpu.dma_semaphore, #tpu.memory_space<semaphore_mem>>) src(%arg8 : memref<125x128xf32, #tpu.memory_space<vmem>>) dst(%dma_wait3A_37 : memref<125x128xf32, #tpu.memory_space<vmem_shared>>)
      tpu.yield
    }) : () -> ()
    %mul3A_7 = arith.constant 625 : i32
    %mul3A_8 = arith.muli %arg1, %mul3A_7 : i32
    %add3A_9 = arith.constant 125 : i32
    %add3A_10 = arith.addi %mul3A_8, %add3A_9 : i32
    "tpu.region"() ({
      %run_scoped3A = tpu.sem_alloc : memref<!tpu.dma_semaphore, #tpu.memory_space<semaphore_mem>>
      %dma_start3A = arith.constant 0 : i32
      %dma_start3A_32 = tpu.memref_slice %arg9[%add3A_10, %dma_start3A] : memref<10000x128xf32, #tpu.memory_space<vmem_shared>> -> memref<125x128xf32, #tpu.memory_space<vmem_shared>>
      %dma_start3A_33 = arith.constant 0 : i32
      %dma_start3A_34 = tpu.memref_slice %arg9[%add3A_10, %dma_start3A_33] : memref<10000x128xf32, #tpu.memory_space<vmem_shared>> -> memref<125x128xf32, #tpu.memory_space<vmem_shared>>
      tpu.enqueue_dma source(%arg8 : memref<125x128xf32, #tpu.memory_space<vmem>>) target(%dma_start3A_34 : memref<125x128xf32, #tpu.memory_space<vmem_shared>>) target_semaphore(%run_scoped3A : memref<!tpu.dma_semaphore, #tpu.memory_space<semaphore_mem>>)
      %dma_wait3A = arith.constant 0 : i32
      %dma_wait3A_35 = tpu.memref_slice %arg9[%add3A_10, %dma_wait3A] : memref<10000x128xf32, #tpu.memory_space<vmem_shared>> -> memref<125x128xf32, #tpu.memory_space<vmem_shared>>
      %dma_wait3A_36 = arith.constant 0 : i32
      %dma_wait3A_37 = tpu.memref_slice %arg9[%add3A_10, %dma_wait3A_36] : memref<10000x128xf32, #tpu.memory_space<vmem_shared>> -> memref<125x128xf32, #tpu.memory_space<vmem_shared>>
      tpu.wait_dma2 semaphore(%run_scoped3A : memref<!tpu.dma_semaphore, #tpu.memory_space<semaphore_mem>>) src(%arg8 : memref<125x128xf32, #tpu.memory_space<vmem>>) dst(%dma_wait3A_37 : memref<125x128xf32, #tpu.memory_space<vmem_shared>>)
      tpu.yield
    }) : () -> ()
    %mul3A_11 = arith.constant 625 : i32
    %mul3A_12 = arith.muli %arg1, %mul3A_11 : i32
    %add3A_13 = arith.constant 250 : i32
    %add3A_14 = arith.addi %mul3A_12, %add3A_13 : i32
    "tpu.region"() ({
      %run_scoped3A = tpu.sem_alloc : memref<!tpu.dma_semaphore, #tpu.memory_space<semaphore_mem>>
      %dma_start3A = arith.constant 0 : i32
      %dma_start3A_32 = tpu.memref_slice %arg9[%add3A_14, %dma_start3A] : memref<10000x128xf32, #tpu.memory_space<vmem_shared>> -> memref<125x128xf32, #tpu.memory_space<vmem_shared>>
      %dma_start3A_33 = arith.constant 0 : i32
      %dma_start3A_34 = tpu.memref_slice %arg9[%add3A_14, %dma_start3A_33] : memref<10000x128xf32, #tpu.memory_space<vmem_shared>> -> memref<125x128xf32, #tpu.memory_space<vmem_shared>>
      tpu.enqueue_dma source(%arg8 : memref<125x128xf32, #tpu.memory_space<vmem>>) target(%dma_start3A_34 : memref<125x128xf32, #tpu.memory_space<vmem_shared>>) target_semaphore(%run_scoped3A : memref<!tpu.dma_semaphore, #tpu.memory_space<semaphore_mem>>)
      %dma_wait3A = arith.constant 0 : i32
      %dma_wait3A_35 = tpu.memref_slice %arg9[%add3A_14, %dma_wait3A] : memref<10000x128xf32, #tpu.memory_space<vmem_shared>> -> memref<125x128xf32, #tpu.memory_space<vmem_shared>>
      %dma_wait3A_36 = arith.constant 0 : i32
      %dma_wait3A_37 = tpu.memref_slice %arg9[%add3A_14, %dma_wait3A_36] : memref<10000x128xf32, #tpu.memory_space<vmem_shared>> -> memref<125x128xf32, #tpu.memory_space<vmem_shared>>
      tpu.wait_dma2 semaphore(%run_scoped3A : memref<!tpu.dma_semaphore, #tpu.memory_space<semaphore_mem>>) src(%arg8 : memref<125x128xf32, #tpu.memory_space<vmem>>) dst(%dma_wait3A_37 : memref<125x128xf32, #tpu.memory_space<vmem_shared>>)
      tpu.yield
    }) : () -> ()
    %mul3A_15 = arith.constant 625 : i32
    %mul3A_16 = arith.muli %arg1, %mul3A_15 : i32
    %add3A_17 = arith.constant 375 : i32
    %add3A_18 = arith.addi %mul3A_16, %add3A_17 : i32
    "tpu.region"() ({
      %run_scoped3A = tpu.sem_alloc : memref<!tpu.dma_semaphore, #tpu.memory_space<semaphore_mem>>
      %dma_start3A = arith.constant 0 : i32
      %dma_start3A_32 = tpu.memref_slice %arg9[%add3A_18, %dma_start3A] : memref<10000x128xf32, #tpu.memory_space<vmem_shared>> -> memref<125x128xf32, #tpu.memory_space<vmem_shared>>
      %dma_start3A_33 = arith.constant 0 : i32
      %dma_start3A_34 = tpu.memref_slice %arg9[%add3A_18, %dma_start3A_33] : memref<10000x128xf32, #tpu.memory_space<vmem_shared>> -> memref<125x128xf32, #tpu.memory_space<vmem_shared>>
      tpu.enqueue_dma source(%arg8 : memref<125x128xf32, #tpu.memory_space<vmem>>) target(%dma_start3A_34 : memref<125x128xf32, #tpu.memory_space<vmem_shared>>) target_semaphore(%run_scoped3A : memref<!tpu.dma_semaphore, #tpu.memory_space<semaphore_mem>>)
      %dma_wait3A = arith.constant 0 : i32
      %dma_wait3A_35 = tpu.memref_slice %arg9[%add3A_18, %dma_wait3A] : memref<10000x128xf32, #tpu.memory_space<vmem_shared>> -> memref<125x128xf32, #tpu.memory_space<vmem_shared>>
      %dma_wait3A_36 = arith.constant 0 : i32
      %dma_wait3A_37 = tpu.memref_slice %arg9[%add3A_18, %dma_wait3A_36] : memref<10000x128xf32, #tpu.memory_space<vmem_shared>> -> memref<125x128xf32, #tpu.memory_space<vmem_shared>>
      tpu.wait_dma2 semaphore(%run_scoped3A : memref<!tpu.dma_semaphore, #tpu.memory_space<semaphore_mem>>) src(%arg8 : memref<125x128xf32, #tpu.memory_space<vmem>>) dst(%dma_wait3A_37 : memref<125x128xf32, #tpu.memory_space<vmem_shared>>)
      tpu.yield
    }) : () -> ()
    %mul3A_19 = arith.constant 625 : i32
    %mul3A_20 = arith.muli %arg1, %mul3A_19 : i32
    %add3A_21 = arith.constant 500 : i32
    %add3A_22 = arith.addi %mul3A_20, %add3A_21 : i32
    "tpu.region"() ({
      %run_scoped3A = tpu.sem_alloc : memref<!tpu.dma_semaphore, #tpu.memory_space<semaphore_mem>>
      %dma_start3A = arith.constant 0 : i32
      %dma_start3A_32 = tpu.memref_slice %arg9[%add3A_22, %dma_start3A] : memref<10000x128xf32, #tpu.memory_space<vmem_shared>> -> memref<125x128xf32, #tpu.memory_space<vmem_shared>>
      %dma_start3A_33 = arith.constant 0 : i32
      %dma_start3A_34 = tpu.memref_slice %arg9[%add3A_22, %dma_start3A_33] : memref<10000x128xf32, #tpu.memory_space<vmem_shared>> -> memref<125x128xf32, #tpu.memory_space<vmem_shared>>
      tpu.enqueue_dma source(%arg8 : memref<125x128xf32, #tpu.memory_space<vmem>>) target(%dma_start3A_34 : memref<125x128xf32, #tpu.memory_space<vmem_shared>>) target_semaphore(%run_scoped3A : memref<!tpu.dma_semaphore, #tpu.memory_space<semaphore_mem>>)
      %dma_wait3A = arith.constant 0 : i32
      %dma_wait3A_35 = tpu.memref_slice %arg9[%add3A_22, %dma_wait3A] : memref<10000x128xf32, #tpu.memory_space<vmem_shared>> -> memref<125x128xf32, #tpu.memory_space<vmem_shared>>
      %dma_wait3A_36 = arith.constant 0 : i32
      %dma_wait3A_37 = tpu.memref_slice %arg9[%add3A_22, %dma_wait3A_36] : memref<10000x128xf32, #tpu.memory_space<vmem_shared>> -> memref<125x128xf32, #tpu.memory_space<vmem_shared>>
      tpu.wait_dma2 semaphore(%run_scoped3A : memref<!tpu.dma_semaphore, #tpu.memory_space<semaphore_mem>>) src(%arg8 : memref<125x128xf32, #tpu.memory_space<vmem>>) dst(%dma_wait3A_37 : memref<125x128xf32, #tpu.memory_space<vmem_shared>>)
      tpu.yield
    }) : () -> ()
    "tpu.region"() ({
      %run_scoped3A = tpu.sem_alloc : memref<!tpu.dma_semaphore, #tpu.memory_space<semaphore_mem>>
      %dma_start3A = arith.constant 0 : i32
      %dma_start3A_32 = arith.constant 0 : i32
      %dma_start3A_33 = tpu.memref_slice %arg3[%arg0, %arg1, %dma_start3A, %dma_start3A_32] : memref<2x16x80x125xi32, #tpu.memory_space<hbm>> -> memref<1x1x80x125xi32, #tpu.memory_space<hbm>>
      %dma_start3A_34 = tpu.memref_squeeze %dma_start3A_33 : memref<1x1x80x125xi32, #tpu.memory_space<hbm>> -> memref<80x125xi32, #tpu.memory_space<hbm>>
      %dma_start3A_35 = arith.constant 0 : i32
      %dma_start3A_36 = arith.constant 0 : i32
      %dma_start3A_37 = tpu.memref_slice %arg3[%arg0, %arg1, %dma_start3A_35, %dma_start3A_36] : memref<2x16x80x125xi32, #tpu.memory_space<hbm>> -> memref<1x1x80x125xi32, #tpu.memory_space<hbm>>
      %dma_start3A_38 = tpu.memref_squeeze %dma_start3A_37 : memref<1x1x80x125xi32, #tpu.memory_space<hbm>> -> memref<80x125xi32, #tpu.memory_space<hbm>>
      tpu.enqueue_dma source(%dma_start3A_38 : memref<80x125xi32, #tpu.memory_space<hbm>>) target(%arg6 : memref<80x125xi32, #tpu.memory_space<vmem>>) target_semaphore(%run_scoped3A : memref<!tpu.dma_semaphore, #tpu.memory_space<semaphore_mem>>)
      %dma_wait3A = arith.constant 0 : i32
      %dma_wait3A_39 = arith.constant 0 : i32
      %dma_wait3A_40 = tpu.memref_slice %arg3[%arg0, %arg1, %dma_wait3A, %dma_wait3A_39] : memref<2x16x80x125xi32, #tpu.memory_space<hbm>> -> memref<1x1x80x125xi32, #tpu.memory_space<hbm>>
      %dma_wait3A_41 = tpu.memref_squeeze %dma_wait3A_40 : memref<1x1x80x125xi32, #tpu.memory_space<hbm>> -> memref<80x125xi32, #tpu.memory_space<hbm>>
      %dma_wait3A_42 = arith.constant 0 : i32
      %dma_wait3A_43 = arith.constant 0 : i32
      %dma_wait3A_44 = tpu.memref_slice %arg3[%arg0, %arg1, %dma_wait3A_42, %dma_wait3A_43] : memref<2x16x80x125xi32, #tpu.memory_space<hbm>> -> memref<1x1x80x125xi32, #tpu.memory_space<hbm>>
      %dma_wait3A_45 = tpu.memref_squeeze %dma_wait3A_44 : memref<1x1x80x125xi32, #tpu.memory_space<hbm>> -> memref<80x125xi32, #tpu.memory_space<hbm>>
      tpu.wait_dma2 semaphore(%run_scoped3A : memref<!tpu.dma_semaphore, #tpu.memory_space<semaphore_mem>>) src(%dma_wait3A_45 : memref<80x125xi32, #tpu.memory_space<hbm>>) dst(%arg6 : memref<80x125xi32, #tpu.memory_space<vmem>>)
      tpu.yield
    }) : () -> ()
    "tpu.region"() ({
      %run_scoped3A = tpu.sem_alloc : memref<!tpu.dma_semaphore, #tpu.memory_space<semaphore_mem>>
      %dma_start3A = arith.constant 0 : i32
      %dma_start3A_32 = arith.constant 0 : i32
      %dma_start3A_33 = tpu.memref_slice %arg4[%arg1, %dma_start3A, %dma_start3A_32] : memref<16x80x125xi32, #tpu.memory_space<hbm>> -> memref<1x80x125xi32, #tpu.memory_space<hbm>>
      %dma_start3A_34 = tpu.memref_squeeze %dma_start3A_33 : memref<1x80x125xi32, #tpu.memory_space<hbm>> -> memref<80x125xi32, #tpu.memory_space<hbm>>
      %dma_start3A_35 = arith.constant 0 : i32
      %dma_start3A_36 = arith.constant 0 : i32
      %dma_start3A_37 = tpu.memref_slice %arg4[%arg1, %dma_start3A_35, %dma_start3A_36] : memref<16x80x125xi32, #tpu.memory_space<hbm>> -> memref<1x80x125xi32, #tpu.memory_space<hbm>>
      %dma_start3A_38 = tpu.memref_squeeze %dma_start3A_37 : memref<1x80x125xi32, #tpu.memory_space<hbm>> -> memref<80x125xi32, #tpu.memory_space<hbm>>
      tpu.enqueue_dma source(%dma_start3A_38 : memref<80x125xi32, #tpu.memory_space<hbm>>) target(%arg7 : memref<80x125xi32, #tpu.memory_space<vmem>>) target_semaphore(%run_scoped3A : memref<!tpu.dma_semaphore, #tpu.memory_space<semaphore_mem>>)
      %dma_wait3A = arith.constant 0 : i32
      %dma_wait3A_39 = arith.constant 0 : i32
      %dma_wait3A_40 = tpu.memref_slice %arg4[%arg1, %dma_wait3A, %dma_wait3A_39] : memref<16x80x125xi32, #tpu.memory_space<hbm>> -> memref<1x80x125xi32, #tpu.memory_space<hbm>>
      %dma_wait3A_41 = tpu.memref_squeeze %dma_wait3A_40 : memref<1x80x125xi32, #tpu.memory_space<hbm>> -> memref<80x125xi32, #tpu.memory_space<hbm>>
      %dma_wait3A_42 = arith.constant 0 : i32
      %dma_wait3A_43 = arith.constant 0 : i32
      %dma_wait3A_44 = tpu.memref_slice %arg4[%arg1, %dma_wait3A_42, %dma_wait3A_43] : memref<16x80x125xi32, #tpu.memory_space<hbm>> -> memref<1x80x125xi32, #tpu.memory_space<hbm>>
      %dma_wait3A_45 = tpu.memref_squeeze %dma_wait3A_44 : memref<1x80x125xi32, #tpu.memory_space<hbm>> -> memref<80x125xi32, #tpu.memory_space<hbm>>
      tpu.wait_dma2 semaphore(%run_scoped3A : memref<!tpu.dma_semaphore, #tpu.memory_space<semaphore_mem>>) src(%dma_wait3A_45 : memref<80x125xi32, #tpu.memory_space<hbm>>) dst(%arg7 : memref<80x125xi32, #tpu.memory_space<vmem>>)
      tpu.yield
    }) : () -> ()
    %barrier3A = arith.constant 0 : index
    tpu.barrier barrier_id(%barrier3A)
    %scan3A_23 = arith.constant 0 : i32
    %scan3A_24 = arith.constant 0 : i32
    %scan3A_25 = arith.constant 80 : i32
    %scan3A_26 = arith.addi %scan3A_24, %scan3A_25 : i32
    %scan3A_27 = arith.constant 1 : i32
    scf.for %scan3A_32 = %scan3A_24 to %scan3A_26 step %scan3A_27  : i32 {
      %dma_start3A = arith.constant 0 : i32
      %dma_start3A_33 = tpu.memref_slice %arg6[%scan3A_32, %dma_start3A] : memref<80x125xi32, #tpu.memory_space<vmem>> -> memref<1x125xi32, #tpu.memory_space<vmem>>
      %dma_start3A_34 = tpu.memref_squeeze %dma_start3A_33 : memref<1x125xi32, #tpu.memory_space<vmem>> -> memref<125xi32, #tpu.memory_space<vmem>>
      %dma_start3A_35 = arith.constant 0 : i32
      %dma_start3A_36 = arith.constant 0 : i32
      %dma_start3A_37 = tpu.memref_slice %arg2[%dma_start3A_35, %dma_start3A_36] : memref<20000x128xf32, #tpu.memory_space<hbm>> -> memref<20000x128xf32, #tpu.memory_space<hbm>>
      tpu.enqueue_indirect_dma source(%dma_start3A_37 : memref<20000x128xf32, #tpu.memory_space<hbm>>) target(%arg8 : memref<125x128xf32, #tpu.memory_space<vmem>>) offsets(%dma_start3A_34 : memref<125xi32, #tpu.memory_space<vmem>>) semaphore(%arg10 : memref<!tpu.dma_semaphore, #tpu.memory_space<semaphore_mem>>)
      %dma_wait3A = arith.constant 0 : i32
      %dma_wait3A_38 = tpu.memref_slice %arg6[%scan3A_32, %dma_wait3A] : memref<80x125xi32, #tpu.memory_space<vmem>> -> memref<1x125xi32, #tpu.memory_space<vmem>>
      %dma_wait3A_39 = tpu.memref_squeeze %dma_wait3A_38 : memref<1x125xi32, #tpu.memory_space<vmem>> -> memref<125xi32, #tpu.memory_space<vmem>>
      %dma_wait3A_40 = arith.constant 0 : i32
      %dma_wait3A_41 = arith.constant 0 : i32
      %dma_wait3A_42 = tpu.memref_slice %arg2[%dma_wait3A_40, %dma_wait3A_41] : memref<20000x128xf32, #tpu.memory_space<hbm>> -> memref<20000x128xf32, #tpu.memory_space<hbm>>
      tpu.wait_indirect_dma semaphore(%arg10 : memref<!tpu.dma_semaphore, #tpu.memory_space<semaphore_mem>>) src(%dma_wait3A_42 : memref<20000x128xf32, #tpu.memory_space<hbm>>) dst(%arg8 : memref<125x128xf32, #tpu.memory_space<vmem>>)
      "tpu.region"() ({
        %run_scoped3A = tpu.sem_alloc : memref<!tpu.dma_semaphore, #tpu.memory_space<semaphore_mem>>
        %dma_start3A_43 = arith.constant 0 : i32
        %dma_start3A_44 = tpu.memref_slice %arg7[%scan3A_32, %dma_start3A_43] : memref<80x125xi32, #tpu.memory_space<vmem>> -> memref<1x125xi32, #tpu.memory_space<vmem>>
        %dma_start3A_45 = tpu.memref_squeeze %dma_start3A_44 : memref<1x125xi32, #tpu.memory_space<vmem>> -> memref<125xi32, #tpu.memory_space<vmem>>
        %dma_start3A_46 = arith.constant 0 : i32
        %dma_start3A_47 = arith.constant 0 : i32
        %dma_start3A_48 = tpu.memref_slice %arg9[%dma_start3A_46, %dma_start3A_47] : memref<10000x128xf32, #tpu.memory_space<vmem_shared>> -> memref<10000x128xf32, #tpu.memory_space<vmem_shared>>
        tpu.enqueue_indirect_dma source(%arg8 : memref<125x128xf32, #tpu.memory_space<vmem>>) target(%dma_start3A_48 : memref<10000x128xf32, #tpu.memory_space<vmem_shared>>) offsets(%dma_start3A_45 : memref<125xi32, #tpu.memory_space<vmem>>) semaphore(%run_scoped3A : memref<!tpu.dma_semaphore, #tpu.memory_space<semaphore_mem>>) {add = true}
        %dma_wait3A_49 = arith.constant 0 : i32
        %dma_wait3A_50 = tpu.memref_slice %arg7[%scan3A_32, %dma_wait3A_49] : memref<80x125xi32, #tpu.memory_space<vmem>> -> memref<1x125xi32, #tpu.memory_space<vmem>>
        %dma_wait3A_51 = tpu.memref_squeeze %dma_wait3A_50 : memref<1x125xi32, #tpu.memory_space<vmem>> -> memref<125xi32, #tpu.memory_space<vmem>>
        %dma_wait3A_52 = arith.constant 0 : i32
        %dma_wait3A_53 = arith.constant 0 : i32
        %dma_wait3A_54 = tpu.memref_slice %arg9[%dma_wait3A_52, %dma_wait3A_53] : memref<10000x128xf32, #tpu.memory_space<vmem_shared>> -> memref<10000x128xf32, #tpu.memory_space<vmem_shared>>
        tpu.wait_indirect_dma semaphore(%run_scoped3A : memref<!tpu.dma_semaphore, #tpu.memory_space<semaphore_mem>>) src(%arg8 : memref<125x128xf32, #tpu.memory_space<vmem>>) dst(%dma_wait3A_54 : memref<10000x128xf32, #tpu.memory_space<vmem_shared>>)
        tpu.yield
      }) : () -> ()
    }
    %scan3A_28 = arith.constant 80 : i32
    %barrier3A_29 = arith.constant 0 : index
    tpu.barrier barrier_id(%barrier3A_29)
    %mul3A_30 = arith.constant 625 : i32
    %mul3A_31 = arith.muli %arg1, %mul3A_30 : i32
    "tpu.region"() ({
      %run_scoped3A = tpu.sem_alloc : memref<!tpu.dma_semaphore, #tpu.memory_space<semaphore_mem>>
      %dma_start3A = arith.constant 0 : i32
      %dma_start3A_32 = arith.constant 0 : i32
      %dma_start3A_33 = tpu.memref_slice %arg5[%arg0, %arg1, %dma_start3A, %dma_start3A_32] : memref<2x16x625x128xf32, #tpu.memory_space<hbm>> -> memref<1x1x625x128xf32, #tpu.memory_space<hbm>>
      %dma_start3A_34 = tpu.memref_squeeze %dma_start3A_33 : memref<1x1x625x128xf32, #tpu.memory_space<hbm>> -> memref<625x128xf32, #tpu.memory_space<hbm>>
      %dma_start3A_35 = arith.constant 0 : i32
      %dma_start3A_36 = tpu.memref_slice %arg9[%mul3A_31, %dma_start3A_35] : memref<10000x128xf32, #tpu.memory_space<vmem_shared>> -> memref<625x128xf32, #tpu.memory_space<vmem_shared>>
      tpu.enqueue_dma source(%dma_start3A_36 : memref<625x128xf32, #tpu.memory_space<vmem_shared>>) target(%dma_start3A_34 : memref<625x128xf32, #tpu.memory_space<hbm>>) target_semaphore(%run_scoped3A : memref<!tpu.dma_semaphore, #tpu.memory_space<semaphore_mem>>)
      %dma_wait3A = arith.constant 0 : i32
      %dma_wait3A_37 = arith.constant 0 : i32
      %dma_wait3A_38 = tpu.memref_slice %arg5[%arg0, %arg1, %dma_wait3A, %dma_wait3A_37] : memref<2x16x625x128xf32, #tpu.memory_space<hbm>> -> memref<1x1x625x128xf32, #tpu.memory_space<hbm>>
      %dma_wait3A_39 = tpu.memref_squeeze %dma_wait3A_38 : memref<1x1x625x128xf32, #tpu.memory_space<hbm>> -> memref<625x128xf32, #tpu.memory_space<hbm>>
      %dma_wait3A_40 = arith.constant 0 : i32
      %dma_wait3A_41 = tpu.memref_slice %arg9[%mul3A_31, %dma_wait3A_40] : memref<10000x128xf32, #tpu.memory_space<vmem_shared>> -> memref<625x128xf32, #tpu.memory_space<vmem_shared>>
      tpu.wait_dma2 semaphore(%run_scoped3A : memref<!tpu.dma_semaphore, #tpu.memory_space<semaphore_mem>>) src(%dma_wait3A_41 : memref<625x128xf32, #tpu.memory_space<vmem_shared>>) dst(%dma_wait3A_39 : memref<625x128xf32, #tpu.memory_space<hbm>>)
      tpu.yield
    }) : () -> ()
    return
  }
}

module attributes {stable_mosaic.version = 14 : i64} {
  func.func @_tc1_body(%arg0: i32, %arg1: memref<200x256xf32, #tpu.memory_space<vmem>>, %arg2: memref<1x256xf32, #tpu.memory_space<vmem>>, %arg3: memref<1x256xf32, #tpu.memory_space<vmem>>, %arg4: memref<256x256xf32, #tpu.memory_space<vmem>>, %arg5: memref<2x200x16xf32, #tpu.memory_space<vmem>>, %arg6: memref<2x200x128xf32, #tpu.memory_space<vmem>>) attributes {dimension_semantics = [#tpu.dimension_semantics<arbitrary>], iteration_bounds = array<i64: 50>, scalar_prefetch = 0 : i64, scratch_operands = 0 : i64, tpu.core_type = #tpu.core_type<tc>, window_params = [{transform_indices = @transform_0, window_bounds = array<i64: 200, 256>}, {pipeline_mode = #tpu.pipeline_mode<synchronous>, transform_indices = @transform_1, window_bounds = array<i64: 1, 256>}, {pipeline_mode = #tpu.pipeline_mode<synchronous>, transform_indices = @transform_2, window_bounds = array<i64: 1, 256>}, {pipeline_mode = #tpu.pipeline_mode<synchronous>, transform_indices = @transform_3, window_bounds = array<i64: 256, 256>}, {transform_indices = @transform_4, window_bounds = array<i64: 2, 200, 16>}, {transform_indices = @transform_5, window_bounds = array<i64: 2, 200, 128>}]} {
    %get3A = arith.constant 0 : index
    %get3A_0 = arith.constant 0 : index
    %get3A_1 = vector.load %arg1[%get3A, %get3A_0] : memref<200x256xf32, #tpu.memory_space<vmem>>, vector<200x256xf32>
    %reduce_sum3A = arith.constant dense<0.000000e+00> : vector<200xf32>
    %reduce_sum3A_2 = vector.multi_reduction <add>, %get3A_1, %reduce_sum3A [1] : vector<200x256xf32> to vector<200xf32>
    %broadcast_in_dim3A = vector.shape_cast %reduce_sum3A_2 : vector<200xf32> to vector<200x1xf32>
    %div3A = arith.constant 2.560000e+02 : f32
    %div3A_3 = vector.broadcast %div3A : f32 to vector<200x1xf32>
    %div3A_4 = arith.divf %broadcast_in_dim3A, %div3A_3 : vector<200x1xf32>
    %sub3A = vector.broadcast %div3A_4 : vector<200x1xf32> to vector<200x256xf32>
    %sub3A_5 = arith.subf %get3A_1, %sub3A : vector<200x256xf32>
    %mul3A = arith.mulf %sub3A_5, %sub3A_5 : vector<200x256xf32>
    %reduce_sum3A_6 = arith.constant dense<0.000000e+00> : vector<200xf32>
    %reduce_sum3A_7 = vector.multi_reduction <add>, %mul3A, %reduce_sum3A_6 [1] : vector<200x256xf32> to vector<200xf32>
    %broadcast_in_dim3A_8 = vector.shape_cast %reduce_sum3A_7 : vector<200xf32> to vector<200x1xf32>
    %div3A_9 = arith.constant 2.560000e+02 : f32
    %div3A_10 = vector.broadcast %div3A_9 : f32 to vector<200x1xf32>
    %div3A_11 = arith.divf %broadcast_in_dim3A_8, %div3A_10 : vector<200x1xf32>
    %add3A = arith.constant 9.99999974E-6 : f32
    %add3A_12 = vector.broadcast %add3A : f32 to vector<200x1xf32>
    %add3A_13 = arith.addf %div3A_11, %add3A_12 : vector<200x1xf32>
    %rsqrt3A = math.rsqrt %add3A_13 : vector<200x1xf32>
    %mul3A_14 = vector.broadcast %rsqrt3A : vector<200x1xf32> to vector<200x256xf32>
    %mul3A_15 = arith.mulf %sub3A_5, %mul3A_14 : vector<200x256xf32>
    %get3A_16 = arith.constant 0 : index
    %get3A_17 = arith.constant 0 : index
    %get3A_18 = vector.load %arg2[%get3A_16, %get3A_17] : memref<1x256xf32, #tpu.memory_space<vmem>>, vector<1x256xf32>
    %get3A_19 = vector.shape_cast %get3A_18 : vector<1x256xf32> to vector<256xf32>
    %broadcast_in_dim3A_20 = vector.shape_cast %get3A_19 : vector<256xf32> to vector<1x256xf32>
    %mul3A_21 = vector.broadcast %broadcast_in_dim3A_20 : vector<1x256xf32> to vector<200x256xf32>
    %mul3A_22 = arith.mulf %mul3A_15, %mul3A_21 : vector<200x256xf32>
    %get3A_23 = arith.constant 0 : index
    %get3A_24 = arith.constant 0 : index
    %get3A_25 = vector.load %arg3[%get3A_23, %get3A_24] : memref<1x256xf32, #tpu.memory_space<vmem>>, vector<1x256xf32>
    %get3A_26 = vector.shape_cast %get3A_25 : vector<1x256xf32> to vector<256xf32>
    %broadcast_in_dim3A_27 = vector.shape_cast %get3A_26 : vector<256xf32> to vector<1x256xf32>
    %add3A_28 = vector.broadcast %broadcast_in_dim3A_27 : vector<1x256xf32> to vector<200x256xf32>
    %add3A_29 = arith.addf %mul3A_22, %add3A_28 : vector<200x256xf32>
    %get3A_30 = arith.constant 0 : index
    %get3A_31 = arith.constant 0 : index
    %get3A_32 = vector.load %arg4[%get3A_30, %get3A_31] : memref<256x256xf32, #tpu.memory_space<vmem>>, vector<256x256xf32>
    %dot_general3A = arith.constant dense<0.000000e+00> : vector<200x256xf32>
    %dot_general3A_33 = tpu.matmul %add3A_29, %get3A_32, %dot_general3A {dimension_numbers = #tpu.dot_dimension_numbers<[1], [0], [0], [1], [0, 0, 1, 1], [], []>, precision = #tpu.contract_precision<fp32>, transpose_lhs_hint = false} : vector<200x256xf32>, vector<256x256xf32>, vector<200x256xf32> -> vector<200x256xf32>
    %get3A_34 = arith.constant 0 : index
    %get3A_35 = arith.constant 0 : index
    %get3A_36 = arith.constant 0 : index
    %get3A_37 = vector.load %arg5[%get3A_34, %get3A_35, %get3A_36] : memref<2x200x16xf32, #tpu.memory_space<vmem>>, vector<1x200x1xf32>
    %get3A_38 = vector.shape_cast %get3A_37 : vector<1x200x1xf32> to vector<200x1xf32>
    %get3A_39 = arith.constant 1 : index
    %get3A_40 = arith.constant 0 : index
    %get3A_41 = arith.constant 0 : index
    %get3A_42 = vector.load %arg5[%get3A_39, %get3A_40, %get3A_41] : memref<2x200x16xf32, #tpu.memory_space<vmem>>, vector<1x200x1xf32>
    %get3A_43 = vector.shape_cast %get3A_42 : vector<1x200x1xf32> to vector<200x1xf32>
    %add3A_44 = arith.addf %get3A_38, %get3A_43 : vector<200x1xf32>
    %add3A_45 = arith.constant 1.000000e+00 : f32
    %add3A_46 = vector.broadcast %add3A_45 : f32 to vector<200x1xf32>
    %add3A_47 = arith.addf %add3A_44, %add3A_46 : vector<200x1xf32>
    %rsqrt3A_48 = math.rsqrt %add3A_47 : vector<200x1xf32>
    %mul3A_49 = vector.broadcast %rsqrt3A_48 : vector<200x1xf32> to vector<200x256xf32>
    %mul3A_50 = arith.mulf %dot_general3A_33, %mul3A_49 : vector<200x256xf32>
    %slice3A = vector.extract_strided_slice %mul3A_50 {offsets = [0, 0], sizes = [200, 128], strides = [1, 1]} : vector<200x256xf32> to vector<200x128xf32>
    %swap3A = arith.constant 0 : index
    %swap3A_51 = arith.constant 0 : index
    %swap3A_52 = arith.constant 0 : index
    %swap3A_53 = vector.load %arg6[%swap3A, %swap3A_51, %swap3A_52] : memref<2x200x128xf32, #tpu.memory_space<vmem>>, vector<1x200x128xf32>
    %swap3A_54 = vector.shape_cast %swap3A_53 : vector<1x200x128xf32> to vector<200x128xf32>
    %swap3A_55 = vector.shape_cast %slice3A : vector<200x128xf32> to vector<1x200x128xf32>
    tpu.vector_store %arg6[%swap3A, %swap3A_51, %swap3A_52], %swap3A_55 {strides = array<i32>} : memref<2x200x128xf32, #tpu.memory_space<vmem>>, vector<1x200x128xf32>,
    %slice3A_56 = vector.extract_strided_slice %mul3A_50 {offsets = [0, 128], sizes = [200, 128], strides = [1, 1]} : vector<200x256xf32> to vector<200x128xf32>
    %swap3A_57 = arith.constant 1 : index
    %swap3A_58 = arith.constant 0 : index
    %swap3A_59 = arith.constant 0 : index
    %swap3A_60 = vector.load %arg6[%swap3A_57, %swap3A_58, %swap3A_59] : memref<2x200x128xf32, #tpu.memory_space<vmem>>, vector<1x200x128xf32>
    %swap3A_61 = vector.shape_cast %swap3A_60 : vector<1x200x128xf32> to vector<200x128xf32>
    %swap3A_62 = vector.shape_cast %slice3A_56 : vector<200x128xf32> to vector<1x200x128xf32>
    tpu.vector_store %arg6[%swap3A_57, %swap3A_58, %swap3A_59], %swap3A_62 {strides = array<i32>} : memref<2x200x128xf32, #tpu.memory_space<vmem>>, vector<1x200x128xf32>,
    return
  }
  func.func @transform_0(%arg0: i32) -> (i32, i32) {
    %c0_i32 = arith.constant 0 : i32
    %c0_i32_0 = arith.constant 0 : i32
    return %arg0, %c0_i32 : i32, i32
  }
  func.func @transform_1(%arg0: i32) -> (i32, i32) {
    %c0_i32 = arith.constant 0 : i32
    %c0_i32_0 = arith.constant 0 : i32
    %c0_i32_1 = arith.constant 0 : i32
    return %c0_i32, %c0_i32_0 : i32, i32
  }
  func.func @transform_2(%arg0: i32) -> (i32, i32) {
    %c0_i32 = arith.constant 0 : i32
    %c0_i32_0 = arith.constant 0 : i32
    %c0_i32_1 = arith.constant 0 : i32
    return %c0_i32, %c0_i32_0 : i32, i32
  }
  func.func @transform_3(%arg0: i32) -> (i32, i32) {
    %c0_i32 = arith.constant 0 : i32
    %c0_i32_0 = arith.constant 0 : i32
    %c0_i32_1 = arith.constant 0 : i32
    return %c0_i32, %c0_i32_0 : i32, i32
  }
  func.func @transform_4(%arg0: i32) -> (i32, i32, i32) {
    %c0_i32 = arith.constant 0 : i32
    %c0_i32_0 = arith.constant 0 : i32
    %c0_i32_1 = arith.constant 0 : i32
    return %c0_i32, %arg0, %c0_i32_0 : i32, i32, i32
  }
  func.func @transform_5(%arg0: i32) -> (i32, i32, i32) {
    %c0_i32 = arith.constant 0 : i32
    %c0_i32_0 = arith.constant 0 : i32
    %c0_i32_1 = arith.constant 0 : i32
    return %c0_i32, %arg0, %c0_i32_0 : i32, i32, i32
  }
}

module attributes {stable_mosaic.version = 14 : i64} {
  func.func @_tc2_body(%arg0: i32, %arg1: memref<2x200x128xf32, #tpu.memory_space<vmem>>, %arg2: memref<2x200x128xf32, #tpu.memory_space<vmem>>, %arg3: memref<2x200x16xf32, #tpu.memory_space<vmem>>, %arg4: memref<1x256xf32, #tpu.memory_space<vmem>>, %arg5: memref<1x256xf32, #tpu.memory_space<vmem>>, %arg6: memref<1x256xf32, #tpu.memory_space<vmem>>, %arg7: memref<1x256xf32, #tpu.memory_space<vmem>>, %arg8: memref<1x256xf32, #tpu.memory_space<vmem>>, %arg9: memref<256x128xf32, #tpu.memory_space<vmem>>, %arg10: memref<200x128xf32, #tpu.memory_space<vmem>>) attributes {dimension_semantics = [#tpu.dimension_semantics<arbitrary>], iteration_bounds = array<i64: 50>, scalar_prefetch = 0 : i64, scratch_operands = 0 : i64, tpu.core_type = #tpu.core_type<tc>, window_params = [{transform_indices = @transform_0, window_bounds = array<i64: 2, 200, 128>}, {transform_indices = @transform_1, window_bounds = array<i64: 2, 200, 128>}, {transform_indices = @transform_2, window_bounds = array<i64: 2, 200, 16>}, {pipeline_mode = #tpu.pipeline_mode<synchronous>, transform_indices = @transform_3, window_bounds = array<i64: 1, 256>}, {pipeline_mode = #tpu.pipeline_mode<synchronous>, transform_indices = @transform_4, window_bounds = array<i64: 1, 256>}, {pipeline_mode = #tpu.pipeline_mode<synchronous>, transform_indices = @transform_5, window_bounds = array<i64: 1, 256>}, {pipeline_mode = #tpu.pipeline_mode<synchronous>, transform_indices = @transform_6, window_bounds = array<i64: 1, 256>}, {pipeline_mode = #tpu.pipeline_mode<synchronous>, transform_indices = @transform_7, window_bounds = array<i64: 1, 256>}, {pipeline_mode = #tpu.pipeline_mode<synchronous>, transform_indices = @transform_8, window_bounds = array<i64: 256, 128>}, {transform_indices = @transform_9, window_bounds = array<i64: 200, 128>}]} {
    %get3A = arith.constant 0 : index
    %get3A_0 = arith.constant 0 : index
    %get3A_1 = arith.constant 0 : index
    %get3A_2 = vector.load %arg3[%get3A, %get3A_0, %get3A_1] : memref<2x200x16xf32, #tpu.memory_space<vmem>>, vector<1x200x1xf32>
    %get3A_3 = vector.shape_cast %get3A_2 : vector<1x200x1xf32> to vector<200x1xf32>
    %get3A_4 = arith.constant 1 : index
    %get3A_5 = arith.constant 0 : index
    %get3A_6 = arith.constant 0 : index
    %get3A_7 = vector.load %arg3[%get3A_4, %get3A_5, %get3A_6] : memref<2x200x16xf32, #tpu.memory_space<vmem>>, vector<1x200x1xf32>
    %get3A_8 = vector.shape_cast %get3A_7 : vector<1x200x1xf32> to vector<200x1xf32>
    %add3A = arith.addf %get3A_3, %get3A_8 : vector<200x1xf32>
    %add3A_9 = arith.constant 1.000000e+00 : f32
    %add3A_10 = vector.broadcast %add3A_9 : f32 to vector<200x1xf32>
    %add3A_11 = arith.addf %add3A, %add3A_10 : vector<200x1xf32>
    %rsqrt3A = math.rsqrt %add3A_11 : vector<200x1xf32>
    %get3A_12 = arith.constant 0 : index
    %get3A_13 = arith.constant 0 : index
    %get3A_14 = arith.constant 0 : index
    %get3A_15 = vector.load %arg1[%get3A_12, %get3A_13, %get3A_14] : memref<2x200x128xf32, #tpu.memory_space<vmem>>, vector<1x200x128xf32>
    %get3A_16 = vector.shape_cast %get3A_15 : vector<1x200x128xf32> to vector<200x128xf32>
    %get3A_17 = arith.constant 0 : index
    %get3A_18 = arith.constant 0 : index
    %get3A_19 = arith.constant 0 : index
    %get3A_20 = vector.load %arg2[%get3A_17, %get3A_18, %get3A_19] : memref<2x200x128xf32, #tpu.memory_space<vmem>>, vector<1x200x128xf32>
    %get3A_21 = vector.shape_cast %get3A_20 : vector<1x200x128xf32> to vector<200x128xf32>
    %add3A_22 = arith.addf %get3A_16, %get3A_21 : vector<200x128xf32>
    %get3A_23 = arith.constant 1 : index
    %get3A_24 = arith.constant 0 : index
    %get3A_25 = arith.constant 0 : index
    %get3A_26 = vector.load %arg1[%get3A_23, %get3A_24, %get3A_25] : memref<2x200x128xf32, #tpu.memory_space<vmem>>, vector<1x200x128xf32>
    %get3A_27 = vector.shape_cast %get3A_26 : vector<1x200x128xf32> to vector<200x128xf32>
    %get3A_28 = arith.constant 1 : index
    %get3A_29 = arith.constant 0 : index
    %get3A_30 = arith.constant 0 : index
    %get3A_31 = vector.load %arg2[%get3A_28, %get3A_29, %get3A_30] : memref<2x200x128xf32, #tpu.memory_space<vmem>>, vector<1x200x128xf32>
    %get3A_32 = vector.shape_cast %get3A_31 : vector<1x200x128xf32> to vector<200x128xf32>
    %add3A_33 = arith.addf %get3A_27, %get3A_32 : vector<200x128xf32>
    %concatenate3A = tpu.concatenate %add3A_22, %add3A_33 in 1 : vector<200x128xf32>, vector<200x128xf32> -> vector<200x256xf32>
    %mul3A = vector.broadcast %rsqrt3A : vector<200x1xf32> to vector<200x256xf32>
    %mul3A_34 = arith.mulf %concatenate3A, %mul3A : vector<200x256xf32>
    %get3A_35 = arith.constant 0 : index
    %get3A_36 = arith.constant 0 : index
    %get3A_37 = vector.load %arg4[%get3A_35, %get3A_36] : memref<1x256xf32, #tpu.memory_space<vmem>>, vector<1x256xf32>
    %get3A_38 = vector.shape_cast %get3A_37 : vector<1x256xf32> to vector<256xf32>
    %broadcast_in_dim3A = vector.shape_cast %get3A_38 : vector<256xf32> to vector<1x256xf32>
    %add3A_39 = vector.broadcast %broadcast_in_dim3A : vector<1x256xf32> to vector<200x256xf32>
    %add3A_40 = arith.addf %mul3A_34, %add3A_39 : vector<200x256xf32>
    %get3A_41 = arith.constant 0 : index
    %get3A_42 = arith.constant 0 : index
    %get3A_43 = vector.load %arg7[%get3A_41, %get3A_42] : memref<1x256xf32, #tpu.memory_space<vmem>>, vector<1x256xf32>
    %get3A_44 = vector.shape_cast %get3A_43 : vector<1x256xf32> to vector<256xf32>
    %broadcast_in_dim3A_45 = vector.shape_cast %get3A_44 : vector<256xf32> to vector<1x256xf32>
    %sub3A = vector.broadcast %broadcast_in_dim3A_45 : vector<1x256xf32> to vector<200x256xf32>
    %sub3A_46 = arith.subf %add3A_40, %sub3A : vector<200x256xf32>
    %get3A_47 = arith.constant 0 : index
    %get3A_48 = arith.constant 0 : index
    %get3A_49 = vector.load %arg8[%get3A_47, %get3A_48] : memref<1x256xf32, #tpu.memory_space<vmem>>, vector<1x256xf32>
    %get3A_50 = vector.shape_cast %get3A_49 : vector<1x256xf32> to vector<256xf32>
    %add3A_51 = arith.constant 9.99999974E-6 : f32
    %add3A_52 = vector.broadcast %add3A_51 : f32 to vector<256xf32>
    %add3A_53 = arith.addf %get3A_50, %add3A_52 : vector<256xf32>
    %rsqrt3A_54 = math.rsqrt %add3A_53 : vector<256xf32>
    %broadcast_in_dim3A_55 = vector.shape_cast %rsqrt3A_54 : vector<256xf32> to vector<1x256xf32>
    %mul3A_56 = vector.broadcast %broadcast_in_dim3A_55 : vector<1x256xf32> to vector<200x256xf32>
    %mul3A_57 = arith.mulf %sub3A_46, %mul3A_56 : vector<200x256xf32>
    %get3A_58 = arith.constant 0 : index
    %get3A_59 = arith.constant 0 : index
    %get3A_60 = vector.load %arg5[%get3A_58, %get3A_59] : memref<1x256xf32, #tpu.memory_space<vmem>>, vector<1x256xf32>
    %get3A_61 = vector.shape_cast %get3A_60 : vector<1x256xf32> to vector<256xf32>
    %broadcast_in_dim3A_62 = vector.shape_cast %get3A_61 : vector<256xf32> to vector<1x256xf32>
    %mul3A_63 = vector.broadcast %broadcast_in_dim3A_62 : vector<1x256xf32> to vector<200x256xf32>
    %mul3A_64 = arith.mulf %mul3A_57, %mul3A_63 : vector<200x256xf32>
    %get3A_65 = arith.constant 0 : index
    %get3A_66 = arith.constant 0 : index
    %get3A_67 = vector.load %arg6[%get3A_65, %get3A_66] : memref<1x256xf32, #tpu.memory_space<vmem>>, vector<1x256xf32>
    %get3A_68 = vector.shape_cast %get3A_67 : vector<1x256xf32> to vector<256xf32>
    %broadcast_in_dim3A_69 = vector.shape_cast %get3A_68 : vector<256xf32> to vector<1x256xf32>
    %add3A_70 = vector.broadcast %broadcast_in_dim3A_69 : vector<1x256xf32> to vector<200x256xf32>
    %add3A_71 = arith.addf %mul3A_64, %add3A_70 : vector<200x256xf32>
    %max3A = arith.constant 0.000000e+00 : f32
    %max3A_72 = vector.broadcast %max3A : f32 to vector<200x256xf32>
    %max3A_73 = arith.maximumf %add3A_71, %max3A_72 : vector<200x256xf32>
    %get3A_74 = arith.constant 0 : index
    %get3A_75 = arith.constant 0 : index
    %get3A_76 = vector.load %arg9[%get3A_74, %get3A_75] : memref<256x128xf32, #tpu.memory_space<vmem>>, vector<256x128xf32>
    %dot_general3A = arith.constant dense<0.000000e+00> : vector<200x128xf32>
    %dot_general3A_77 = tpu.matmul %max3A_73, %get3A_76, %dot_general3A {dimension_numbers = #tpu.dot_dimension_numbers<[1], [0], [0], [1], [0, 0, 1, 1], [], []>, precision = #tpu.contract_precision<fp32>, transpose_lhs_hint = false} : vector<200x256xf32>, vector<256x128xf32>, vector<200x128xf32> -> vector<200x128xf32>
    %mul3A_78 = vector.broadcast %rsqrt3A : vector<200x1xf32> to vector<200x128xf32>
    %mul3A_79 = arith.mulf %dot_general3A_77, %mul3A_78 : vector<200x128xf32>
    %swap3A = arith.constant 0 : index
    %swap3A_80 = arith.constant 0 : index
    %swap3A_81 = vector.load %arg10[%swap3A, %swap3A_80] : memref<200x128xf32, #tpu.memory_space<vmem>>, vector<200x128xf32>
    tpu.vector_store %arg10[%swap3A, %swap3A_80], %mul3A_79 {strides = array<i32>} : memref<200x128xf32, #tpu.memory_space<vmem>>, vector<200x128xf32>,
    return
  }
  func.func @transform_0(%arg0: i32) -> (i32, i32, i32) {
    %c0_i32 = arith.constant 0 : i32
    %c0_i32_0 = arith.constant 0 : i32
    %c0_i32_1 = arith.constant 0 : i32
    return %c0_i32, %arg0, %c0_i32_0 : i32, i32, i32
  }
  func.func @transform_1(%arg0: i32) -> (i32, i32, i32) {
    %c0_i32 = arith.constant 0 : i32
    %c0_i32_0 = arith.constant 0 : i32
    %c0_i32_1 = arith.constant 0 : i32
    return %c0_i32, %arg0, %c0_i32_0 : i32, i32, i32
  }
  func.func @transform_2(%arg0: i32) -> (i32, i32, i32) {
    %c0_i32 = arith.constant 0 : i32
    %c0_i32_0 = arith.constant 0 : i32
    %c0_i32_1 = arith.constant 0 : i32
    return %c0_i32, %arg0, %c0_i32_0 : i32, i32, i32
  }
  func.func @transform_3(%arg0: i32) -> (i32, i32) {
    %c0_i32 = arith.constant 0 : i32
    %c0_i32_0 = arith.constant 0 : i32
    %c0_i32_1 = arith.constant 0 : i32
    return %c0_i32, %c0_i32_0 : i32, i32
  }
  func.func @transform_4(%arg0: i32) -> (i32, i32) {
    %c0_i32 = arith.constant 0 : i32
    %c0_i32_0 = arith.constant 0 : i32
    %c0_i32_1 = arith.constant 0 : i32
    return %c0_i32, %c0_i32_0 : i32, i32
  }
  func.func @transform_5(%arg0: i32) -> (i32, i32) {
    %c0_i32 = arith.constant 0 : i32
    %c0_i32_0 = arith.constant 0 : i32
    %c0_i32_1 = arith.constant 0 : i32
    return %c0_i32, %c0_i32_0 : i32, i32
  }
  func.func @transform_6(%arg0: i32) -> (i32, i32) {
    %c0_i32 = arith.constant 0 : i32
    %c0_i32_0 = arith.constant 0 : i32
    %c0_i32_1 = arith.constant 0 : i32
    return %c0_i32, %c0_i32_0 : i32, i32
  }
  func.func @transform_7(%arg0: i32) -> (i32, i32) {
    %c0_i32 = arith.constant 0 : i32
    %c0_i32_0 = arith.constant 0 : i32
    %c0_i32_1 = arith.constant 0 : i32
    return %c0_i32, %c0_i32_0 : i32, i32
  }
  func.func @transform_8(%arg0: i32) -> (i32, i32) {
    %c0_i32 = arith.constant 0 : i32
    %c0_i32_0 = arith.constant 0 : i32
    %c0_i32_1 = arith.constant 0 : i32
    return %c0_i32, %c0_i32_0 : i32, i32
  }
  func.func @transform_9(%arg0: i32) -> (i32, i32) {
    %c0_i32 = arith.constant 0 : i32
    %c0_i32_0 = arith.constant 0 : i32
    return %arg0, %c0_i32 : i32, i32
  }
}

module attributes {stable_mosaic.version = 14 : i64} {
  func.func @_tc3_body(%arg0: i32, %arg1: memref<1x200x128xf32, #tpu.memory_space<vmem>>, %arg2: memref<200x128xf32, #tpu.memory_space<vmem>>, %arg3: memref<2x200x16xf32, #tpu.memory_space<vmem>>, %arg4: memref<1x128xf32, #tpu.memory_space<vmem>>, %arg5: memref<1x128xf32, #tpu.memory_space<vmem>>, %arg6: memref<1x128xf32, #tpu.memory_space<vmem>>, %arg7: memref<1x128xf32, #tpu.memory_space<vmem>>, %arg8: memref<1x128xf32, #tpu.memory_space<vmem>>, %arg9: memref<128x64xf32, #tpu.memory_space<vmem>>, %arg10: memref<1x64xf32, #tpu.memory_space<vmem>>, %arg11: memref<1x64xf32, #tpu.memory_space<vmem>>, %arg12: memref<1x64xf32, #tpu.memory_space<vmem>>, %arg13: memref<64x8xf32, #tpu.memory_space<vmem>>, %arg14: memref<1x8xf32, #tpu.memory_space<vmem>>, %arg15: memref<200x8xf32, #tpu.memory_space<vmem>>) attributes {dimension_semantics = [#tpu.dimension_semantics<arbitrary>], iteration_bounds = array<i64: 50>, scalar_prefetch = 0 : i64, scratch_operands = 0 : i64, tpu.core_type = #tpu.core_type<tc>, window_params = [{transform_indices = @transform_0, window_bounds = array<i64: 1, 200, 128>}, {transform_indices = @transform_1, window_bounds = array<i64: 200, 128>}, {transform_indices = @transform_2, window_bounds = array<i64: 2, 200, 16>}, {pipeline_mode = #tpu.pipeline_mode<synchronous>, transform_indices = @transform_3, window_bounds = array<i64: 1, 128>}, {pipeline_mode = #tpu.pipeline_mode<synchronous>, transform_indices = @transform_4, window_bounds = array<i64: 1, 128>}, {pipeline_mode = #tpu.pipeline_mode<synchronous>, transform_indices = @transform_5, window_bounds = array<i64: 1, 128>}, {pipeline_mode = #tpu.pipeline_mode<synchronous>, transform_indices = @transform_6, window_bounds = array<i64: 1, 128>}, {pipeline_mode = #tpu.pipeline_mode<synchronous>, transform_indices = @transform_7, window_bounds = array<i64: 1, 128>}, {pipeline_mode = #tpu.pipeline_mode<synchronous>, transform_indices = @transform_8, window_bounds = array<i64: 128, 64>}, {pipeline_mode = #tpu.pipeline_mode<synchronous>, transform_indices = @transform_9, window_bounds = array<i64: 1, 64>}, {pipeline_mode = #tpu.pipeline_mode<synchronous>, transform_indices = @transform_10, window_bounds = array<i64: 1, 64>}, {pipeline_mode = #tpu.pipeline_mode<synchronous>, transform_indices = @transform_11, window_bounds = array<i64: 1, 64>}, {pipeline_mode = #tpu.pipeline_mode<synchronous>, transform_indices = @transform_12, window_bounds = array<i64: 64, 8>}, {pipeline_mode = #tpu.pipeline_mode<synchronous>, transform_indices = @transform_13, window_bounds = array<i64: 1, 8>}, {transform_indices = @transform_14, window_bounds = array<i64: 200, 8>}]} {
    %get3A = arith.constant 0 : index
    %get3A_0 = arith.constant 0 : index
    %get3A_1 = arith.constant 0 : index
    %get3A_2 = vector.load %arg3[%get3A, %get3A_0, %get3A_1] : memref<2x200x16xf32, #tpu.memory_space<vmem>>, vector<1x200x1xf32>
    %get3A_3 = vector.shape_cast %get3A_2 : vector<1x200x1xf32> to vector<200x1xf32>
    %get3A_4 = arith.constant 1 : index
    %get3A_5 = arith.constant 0 : index
    %get3A_6 = arith.constant 0 : index
    %get3A_7 = vector.load %arg3[%get3A_4, %get3A_5, %get3A_6] : memref<2x200x16xf32, #tpu.memory_space<vmem>>, vector<1x200x1xf32>
    %get3A_8 = vector.shape_cast %get3A_7 : vector<1x200x1xf32> to vector<200x1xf32>
    %add3A = arith.addf %get3A_3, %get3A_8 : vector<200x1xf32>
    %add3A_9 = arith.constant 1.000000e+00 : f32
    %add3A_10 = vector.broadcast %add3A_9 : f32 to vector<200x1xf32>
    %add3A_11 = arith.addf %add3A, %add3A_10 : vector<200x1xf32>
    %rsqrt3A = math.rsqrt %add3A_11 : vector<200x1xf32>
    %get3A_12 = arith.constant 0 : index
    %get3A_13 = arith.constant 0 : index
    %get3A_14 = arith.constant 0 : index
    %get3A_15 = vector.load %arg1[%get3A_12, %get3A_13, %get3A_14] : memref<1x200x128xf32, #tpu.memory_space<vmem>>, vector<1x200x128xf32>
    %get3A_16 = vector.shape_cast %get3A_15 : vector<1x200x128xf32> to vector<200x128xf32>
    %get3A_17 = arith.constant 0 : index
    %get3A_18 = arith.constant 0 : index
    %get3A_19 = vector.load %arg2[%get3A_17, %get3A_18] : memref<200x128xf32, #tpu.memory_space<vmem>>, vector<200x128xf32>
    %add3A_20 = arith.addf %get3A_16, %get3A_19 : vector<200x128xf32>
    %mul3A = vector.broadcast %rsqrt3A : vector<200x1xf32> to vector<200x128xf32>
    %mul3A_21 = arith.mulf %add3A_20, %mul3A : vector<200x128xf32>
    %get3A_22 = arith.constant 0 : index
    %get3A_23 = arith.constant 0 : index
    %get3A_24 = vector.load %arg4[%get3A_22, %get3A_23] : memref<1x128xf32, #tpu.memory_space<vmem>>, vector<1x128xf32>
    %get3A_25 = vector.shape_cast %get3A_24 : vector<1x128xf32> to vector<128xf32>
    %broadcast_in_dim3A = vector.shape_cast %get3A_25 : vector<128xf32> to vector<1x128xf32>
    %add3A_26 = vector.broadcast %broadcast_in_dim3A : vector<1x128xf32> to vector<200x128xf32>
    %add3A_27 = arith.addf %mul3A_21, %add3A_26 : vector<200x128xf32>
    %get3A_28 = arith.constant 0 : index
    %get3A_29 = arith.constant 0 : index
    %get3A_30 = vector.load %arg7[%get3A_28, %get3A_29] : memref<1x128xf32, #tpu.memory_space<vmem>>, vector<1x128xf32>
    %get3A_31 = vector.shape_cast %get3A_30 : vector<1x128xf32> to vector<128xf32>
    %broadcast_in_dim3A_32 = vector.shape_cast %get3A_31 : vector<128xf32> to vector<1x128xf32>
    %sub3A = vector.broadcast %broadcast_in_dim3A_32 : vector<1x128xf32> to vector<200x128xf32>
    %sub3A_33 = arith.subf %add3A_27, %sub3A : vector<200x128xf32>
    %get3A_34 = arith.constant 0 : index
    %get3A_35 = arith.constant 0 : index
    %get3A_36 = vector.load %arg8[%get3A_34, %get3A_35] : memref<1x128xf32, #tpu.memory_space<vmem>>, vector<1x128xf32>
    %get3A_37 = vector.shape_cast %get3A_36 : vector<1x128xf32> to vector<128xf32>
    %add3A_38 = arith.constant 9.99999974E-6 : f32
    %add3A_39 = vector.broadcast %add3A_38 : f32 to vector<128xf32>
    %add3A_40 = arith.addf %get3A_37, %add3A_39 : vector<128xf32>
    %rsqrt3A_41 = math.rsqrt %add3A_40 : vector<128xf32>
    %broadcast_in_dim3A_42 = vector.shape_cast %rsqrt3A_41 : vector<128xf32> to vector<1x128xf32>
    %mul3A_43 = vector.broadcast %broadcast_in_dim3A_42 : vector<1x128xf32> to vector<200x128xf32>
    %mul3A_44 = arith.mulf %sub3A_33, %mul3A_43 : vector<200x128xf32>
    %get3A_45 = arith.constant 0 : index
    %get3A_46 = arith.constant 0 : index
    %get3A_47 = vector.load %arg5[%get3A_45, %get3A_46] : memref<1x128xf32, #tpu.memory_space<vmem>>, vector<1x128xf32>
    %get3A_48 = vector.shape_cast %get3A_47 : vector<1x128xf32> to vector<128xf32>
    %broadcast_in_dim3A_49 = vector.shape_cast %get3A_48 : vector<128xf32> to vector<1x128xf32>
    %mul3A_50 = vector.broadcast %broadcast_in_dim3A_49 : vector<1x128xf32> to vector<200x128xf32>
    %mul3A_51 = arith.mulf %mul3A_44, %mul3A_50 : vector<200x128xf32>
    %get3A_52 = arith.constant 0 : index
    %get3A_53 = arith.constant 0 : index
    %get3A_54 = vector.load %arg6[%get3A_52, %get3A_53] : memref<1x128xf32, #tpu.memory_space<vmem>>, vector<1x128xf32>
    %get3A_55 = vector.shape_cast %get3A_54 : vector<1x128xf32> to vector<128xf32>
    %broadcast_in_dim3A_56 = vector.shape_cast %get3A_55 : vector<128xf32> to vector<1x128xf32>
    %add3A_57 = vector.broadcast %broadcast_in_dim3A_56 : vector<1x128xf32> to vector<200x128xf32>
    %add3A_58 = arith.addf %mul3A_51, %add3A_57 : vector<200x128xf32>
    %max3A = arith.constant 0.000000e+00 : f32
    %max3A_59 = vector.broadcast %max3A : f32 to vector<200x128xf32>
    %max3A_60 = arith.maximumf %add3A_58, %max3A_59 : vector<200x128xf32>
    %get3A_61 = arith.constant 0 : index
    %get3A_62 = arith.constant 0 : index
    %get3A_63 = vector.load %arg9[%get3A_61, %get3A_62] : memref<128x64xf32, #tpu.memory_space<vmem>>, vector<128x64xf32>
    %dot_general3A = arith.constant dense<0.000000e+00> : vector<200x64xf32>
    %dot_general3A_64 = tpu.matmul %max3A_60, %get3A_63, %dot_general3A {dimension_numbers = #tpu.dot_dimension_numbers<[1], [0], [0], [1], [0, 0, 1, 1], [], []>, precision = #tpu.contract_precision<fp32>, transpose_lhs_hint = false} : vector<200x128xf32>, vector<128x64xf32>, vector<200x64xf32> -> vector<200x64xf32>
    %get3A_65 = arith.constant 0 : index
    %get3A_66 = arith.constant 0 : index
    %get3A_67 = vector.load %arg10[%get3A_65, %get3A_66] : memref<1x64xf32, #tpu.memory_space<vmem>>, vector<1x64xf32>
    %get3A_68 = vector.shape_cast %get3A_67 : vector<1x64xf32> to vector<64xf32>
    %broadcast_in_dim3A_69 = vector.shape_cast %get3A_68 : vector<64xf32> to vector<1x64xf32>
    %add3A_70 = vector.broadcast %broadcast_in_dim3A_69 : vector<1x64xf32> to vector<200x64xf32>
    %add3A_71 = arith.addf %dot_general3A_64, %add3A_70 : vector<200x64xf32>
    %reduce_sum3A = arith.constant dense<0.000000e+00> : vector<200xf32>
    %reduce_sum3A_72 = vector.multi_reduction <add>, %add3A_71, %reduce_sum3A [1] : vector<200x64xf32> to vector<200xf32>
    %broadcast_in_dim3A_73 = vector.shape_cast %reduce_sum3A_72 : vector<200xf32> to vector<200x1xf32>
    %div3A = arith.constant 6.400000e+01 : f32
    %div3A_74 = vector.broadcast %div3A : f32 to vector<200x1xf32>
    %div3A_75 = arith.divf %broadcast_in_dim3A_73, %div3A_74 : vector<200x1xf32>
    %sub3A_76 = vector.broadcast %div3A_75 : vector<200x1xf32> to vector<200x64xf32>
    %sub3A_77 = arith.subf %add3A_71, %sub3A_76 : vector<200x64xf32>
    %mul3A_78 = arith.mulf %sub3A_77, %sub3A_77 : vector<200x64xf32>
    %reduce_sum3A_79 = arith.constant dense<0.000000e+00> : vector<200xf32>
    %reduce_sum3A_80 = vector.multi_reduction <add>, %mul3A_78, %reduce_sum3A_79 [1] : vector<200x64xf32> to vector<200xf32>
    %broadcast_in_dim3A_81 = vector.shape_cast %reduce_sum3A_80 : vector<200xf32> to vector<200x1xf32>
    %div3A_82 = arith.constant 6.400000e+01 : f32
    %div3A_83 = vector.broadcast %div3A_82 : f32 to vector<200x1xf32>
    %div3A_84 = arith.divf %broadcast_in_dim3A_81, %div3A_83 : vector<200x1xf32>
    %add3A_85 = arith.constant 9.99999974E-6 : f32
    %add3A_86 = vector.broadcast %add3A_85 : f32 to vector<200x1xf32>
    %add3A_87 = arith.addf %div3A_84, %add3A_86 : vector<200x1xf32>
    %rsqrt3A_88 = math.rsqrt %add3A_87 : vector<200x1xf32>
    %mul3A_89 = vector.broadcast %rsqrt3A_88 : vector<200x1xf32> to vector<200x64xf32>
    %mul3A_90 = arith.mulf %sub3A_77, %mul3A_89 : vector<200x64xf32>
    %get3A_91 = arith.constant 0 : index
    %get3A_92 = arith.constant 0 : index
    %get3A_93 = vector.load %arg11[%get3A_91, %get3A_92] : memref<1x64xf32, #tpu.memory_space<vmem>>, vector<1x64xf32>
    %get3A_94 = vector.shape_cast %get3A_93 : vector<1x64xf32> to vector<64xf32>
    %broadcast_in_dim3A_95 = vector.shape_cast %get3A_94 : vector<64xf32> to vector<1x64xf32>
    %mul3A_96 = vector.broadcast %broadcast_in_dim3A_95 : vector<1x64xf32> to vector<200x64xf32>
    %mul3A_97 = arith.mulf %mul3A_90, %mul3A_96 : vector<200x64xf32>
    %get3A_98 = arith.constant 0 : index
    %get3A_99 = arith.constant 0 : index
    %get3A_100 = vector.load %arg12[%get3A_98, %get3A_99] : memref<1x64xf32, #tpu.memory_space<vmem>>, vector<1x64xf32>
    %get3A_101 = vector.shape_cast %get3A_100 : vector<1x64xf32> to vector<64xf32>
    %broadcast_in_dim3A_102 = vector.shape_cast %get3A_101 : vector<64xf32> to vector<1x64xf32>
    %add3A_103 = vector.broadcast %broadcast_in_dim3A_102 : vector<1x64xf32> to vector<200x64xf32>
    %add3A_104 = arith.addf %mul3A_97, %add3A_103 : vector<200x64xf32>
    %max3A_105 = arith.constant 0.000000e+00 : f32
    %max3A_106 = vector.broadcast %max3A_105 : f32 to vector<200x64xf32>
    %max3A_107 = arith.maximumf %add3A_104, %max3A_106 : vector<200x64xf32>
    %get3A_108 = arith.constant 0 : index
    %get3A_109 = arith.constant 0 : index
    %get3A_110 = vector.load %arg13[%get3A_108, %get3A_109] : memref<64x8xf32, #tpu.memory_space<vmem>>, vector<64x8xf32>
    %dot_general3A_111 = arith.constant dense<0.000000e+00> : vector<200x8xf32>
    %dot_general3A_112 = tpu.matmul %max3A_107, %get3A_110, %dot_general3A_111 {dimension_numbers = #tpu.dot_dimension_numbers<[1], [0], [0], [1], [0, 0, 1, 1], [], []>, precision = #tpu.contract_precision<fp32>, transpose_lhs_hint = false} : vector<200x64xf32>, vector<64x8xf32>, vector<200x8xf32> -> vector<200x8xf32>
    %get3A_113 = arith.constant 0 : index
    %get3A_114 = arith.constant 0 : index
    %get3A_115 = vector.load %arg14[%get3A_113, %get3A_114] : memref<1x8xf32, #tpu.memory_space<vmem>>, vector<1x8xf32>
    %get3A_116 = vector.shape_cast %get3A_115 : vector<1x8xf32> to vector<8xf32>
    %broadcast_in_dim3A_117 = vector.shape_cast %get3A_116 : vector<8xf32> to vector<1x8xf32>
    %add3A_118 = vector.broadcast %broadcast_in_dim3A_117 : vector<1x8xf32> to vector<200x8xf32>
    %add3A_119 = arith.addf %dot_general3A_112, %add3A_118 : vector<200x8xf32>
    %swap3A = arith.constant 0 : index
    %swap3A_120 = arith.constant 0 : index
    %swap3A_121 = vector.load %arg15[%swap3A, %swap3A_120] : memref<200x8xf32, #tpu.memory_space<vmem>>, vector<200x8xf32>
    tpu.vector_store %arg15[%swap3A, %swap3A_120], %add3A_119 {strides = array<i32>} : memref<200x8xf32, #tpu.memory_space<vmem>>, vector<200x8xf32>,
    return
  }
  func.func @transform_0(%arg0: i32) -> (i32, i32, i32) {
    %jit3A = arith.constant 25 : i32
    %div3A = arith.divsi %arg0, %jit3A : i32
    %sign3A = arith.constant 0 : i32
    %sign3A_0 = arith.cmpi sgt, %arg0, %sign3A : i32
    %sign3A_1 = arith.extui %sign3A_0 : i1 to i32
    %sign3A_2 = arith.constant 0 : i32
    %sign3A_3 = arith.cmpi slt, %arg0, %sign3A_2 : i32
    %sign3A_4 = arith.extui %sign3A_3 : i1 to i32
    %sign3A_5 = arith.subi %sign3A_1, %sign3A_4 : i32
    %sign3A_6 = arith.constant 0 : i32
    %sign3A_7 = arith.cmpi sgt, %jit3A, %sign3A_6 : i32
    %sign3A_8 = arith.extui %sign3A_7 : i1 to i32
    %sign3A_9 = arith.constant 0 : i32
    %sign3A_10 = arith.cmpi slt, %jit3A, %sign3A_9 : i32
    %sign3A_11 = arith.extui %sign3A_10 : i1 to i32
    %sign3A_12 = arith.subi %sign3A_8, %sign3A_11 : i32
    %ne3A = arith.cmpi ne, %sign3A_5, %sign3A_12 : i32
    %rem3A = arith.remsi %arg0, %jit3A : i32
    %ne3A_13 = arith.constant 0 : i32
    %ne3A_14 = arith.cmpi ne, %rem3A, %ne3A_13 : i32
    %and3A = arith.andi %ne3A, %ne3A_14 : i1
    %sub3A = arith.constant 1 : i32
    %sub3A_15 = arith.subi %div3A, %sub3A : i32
    %select_n3A = arith.select %and3A, %sub3A_15, %div3A : i32
    %jit3A_16 = arith.constant 25 : i32
    %eq3A = arith.constant 0 : i32
    %eq3A_17 = arith.cmpi eq, %jit3A_16, %eq3A : i32
    %jit3A_18 = arith.constant 1 : i32
    %select_n3A_19 = arith.select %eq3A_17, %jit3A_18, %jit3A_16 : i32
    %rem3A_20 = arith.remsi %arg0, %select_n3A_19 : i32
    %ne3A_21 = arith.constant 0 : i32
    %ne3A_22 = arith.cmpi ne, %rem3A_20, %ne3A_21 : i32
    %lt3A = arith.constant 0 : i32
    %lt3A_23 = arith.cmpi slt, %rem3A_20, %lt3A : i32
    %lt3A_24 = arith.constant 0 : i32
    %lt3A_25 = arith.cmpi slt, %select_n3A_19, %lt3A_24 : i32
    %ne3A_26 = arith.xori %lt3A_23, %lt3A_25 : i1
    %and3A_27 = arith.andi %ne3A_26, %ne3A_22 : i1
    %add3A = arith.addi %rem3A_20, %select_n3A_19 : i32
    %select_n3A_28 = arith.select %and3A_27, %add3A, %rem3A_20 : i32
    %c0_i32 = arith.constant 0 : i32
    %c0_i32_29 = arith.constant 0 : i32
    return %select_n3A, %select_n3A_28, %c0_i32 : i32, i32, i32
  }
  func.func @transform_1(%arg0: i32) -> (i32, i32) {
    %c0_i32 = arith.constant 0 : i32
    %c0_i32_0 = arith.constant 0 : i32
    return %arg0, %c0_i32 : i32, i32
  }
  func.func @transform_2(%arg0: i32) -> (i32, i32, i32) {
    %c0_i32 = arith.constant 0 : i32
    %c0_i32_0 = arith.constant 0 : i32
    %c0_i32_1 = arith.constant 0 : i32
    return %c0_i32, %arg0, %c0_i32_0 : i32, i32, i32
  }
  func.func @transform_3(%arg0: i32) -> (i32, i32) {
    %c0_i32 = arith.constant 0 : i32
    %c0_i32_0 = arith.constant 0 : i32
    %c0_i32_1 = arith.constant 0 : i32
    return %c0_i32, %c0_i32_0 : i32, i32
  }
  func.func @transform_4(%arg0: i32) -> (i32, i32) {
    %c0_i32 = arith.constant 0 : i32
    %c0_i32_0 = arith.constant 0 : i32
    %c0_i32_1 = arith.constant 0 : i32
    return %c0_i32, %c0_i32_0 : i32, i32
  }
  func.func @transform_5(%arg0: i32) -> (i32, i32) {
    %c0_i32 = arith.constant 0 : i32
    %c0_i32_0 = arith.constant 0 : i32
    %c0_i32_1 = arith.constant 0 : i32
    return %c0_i32, %c0_i32_0 : i32, i32
  }
  func.func @transform_6(%arg0: i32) -> (i32, i32) {
    %c0_i32 = arith.constant 0 : i32
    %c0_i32_0 = arith.constant 0 : i32
    %c0_i32_1 = arith.constant 0 : i32
    return %c0_i32, %c0_i32_0 : i32, i32
  }
  func.func @transform_7(%arg0: i32) -> (i32, i32) {
    %c0_i32 = arith.constant 0 : i32
    %c0_i32_0 = arith.constant 0 : i32
    %c0_i32_1 = arith.constant 0 : i32
    return %c0_i32, %c0_i32_0 : i32, i32
  }
  func.func @transform_8(%arg0: i32) -> (i32, i32) {
    %c0_i32 = arith.constant 0 : i32
    %c0_i32_0 = arith.constant 0 : i32
    %c0_i32_1 = arith.constant 0 : i32
    return %c0_i32, %c0_i32_0 : i32, i32
  }
  func.func @transform_9(%arg0: i32) -> (i32, i32) {
    %c0_i32 = arith.constant 0 : i32
    %c0_i32_0 = arith.constant 0 : i32
    %c0_i32_1 = arith.constant 0 : i32
    return %c0_i32, %c0_i32_0 : i32, i32
  }
  func.func @transform_10(%arg0: i32) -> (i32, i32) {
    %c0_i32 = arith.constant 0 : i32
    %c0_i32_0 = arith.constant 0 : i32
    %c0_i32_1 = arith.constant 0 : i32
    return %c0_i32, %c0_i32_0 : i32, i32
  }
  func.func @transform_11(%arg0: i32) -> (i32, i32) {
    %c0_i32 = arith.constant 0 : i32
    %c0_i32_0 = arith.constant 0 : i32
    %c0_i32_1 = arith.constant 0 : i32
    return %c0_i32, %c0_i32_0 : i32, i32
  }
  func.func @transform_12(%arg0: i32) -> (i32, i32) {
    %c0_i32 = arith.constant 0 : i32
    %c0_i32_0 = arith.constant 0 : i32
    %c0_i32_1 = arith.constant 0 : i32
    return %c0_i32, %c0_i32_0 : i32, i32
  }
  func.func @transform_13(%arg0: i32) -> (i32, i32) {
    %c0_i32 = arith.constant 0 : i32
    %c0_i32_0 = arith.constant 0 : i32
    %c0_i32_1 = arith.constant 0 : i32
    return %c0_i32, %c0_i32_0 : i32, i32
  }
  func.func @transform_14(%arg0: i32) -> (i32, i32) {
    %c0_i32 = arith.constant 0 : i32
    %c0_i32_0 = arith.constant 0 : i32
    return %arg0, %c0_i32 : i32, i32
  }
}

</mosaic_0001>

<sc_bundles>
// kernel: kernel.11.cloned.1.call-start
scs
__scs_entry_jumppad:
0x0: {  	(pc) =	sbr.rel $0x88, $3  }
0x1: {  	(tag) =	ssettag $0x0;
	lr =	simm.s32 $0x1  }
0x2: {  	[smem:$0x3F8B] =	sst lr;
	_ =	strace $0xD0000000  }
0x3: {  	_ = 	snop  }
0x4: {  	_ = 	snop  }
0x5: {  	_ = 	snop  }
0x6: {  	_ = 	snop  }
0x7: {  	_ = 	snop  }
__scs_overlays_trampoline_lowered:
0x8: {  	[smem:$0x3F9A] =	sst s0  }
0x9: {  	[smem:$0x3F9B] =	sst s1  }
0xa: {  	[smem:$0x3F9C] =	sst s2  }
0xb: {  	[smem:$0x3F9D] =	sst s3  }
0xc: {  	[smem:$0x3F9E] =	sst s4  }
0xd: {  	[smem:$0x3F9F] =	sst s5  }
0xe: {  	[smem:$0x3FA0] =	sst s6  }
0xf: {  	[smem:$0x3FA1] =	sst s7  }
0x10: {  	[smem:$0x3FA2] =	sst s8  }
0x11: {  	[smem:$0x3FA3] =	sst s9;
	s0 =	simm.s32 @!p0 $0x0  }
0x12: {  	s1 =	sld [smem:$0x3F89];
	s0 =	simm.s32 @p0 $0x1  }
0x13: {  	[smem:$0x3FA4] =	sst s0;
	s0 =	simm.s32 @!p1 $0x0  }
0x14: {  	s2 =	sld [smem:$0x3F88];
	s0 =	simm.s32 @p1 $0x1  }
0x15: {  	[smem:$0x3FA5] =	sst s0;
	s0 =	simm.s32 @!p2 $0x0  }
0x16: {  	s3 =	sld [smem:$0x3FDB];
	s0 =	simm.s32 @p2 $0x1  }
0x17: {  	s4 =	simm.s32 $0x1BF5;
	[smem:$0x3FA7] =	sst s0  }
0x18: {  	s0 =	sld [smem:$0x3F8A];
	_ =	swait.ge [sflag:s4], $0x0  }
0x19: {  	s7 =	sld [smem:$0x3F8B]  }
0x1a: {  	s8 =	sadd.s32 $0xFFFFE003, lr  }
0x1b: {  	s9 =	sadd.s32 $0xFFFFFEF7, lr;
	s5 =	simm.s32 $0xFFFFFFFF;
	p2 =	slt.u32 s8, $0xFFFFF086  }
0x1c: {  	p1 =	slt.u32 s9, $0xF7A;
	s5 =	simm.s32 @!p2 $0x0  }
0x1d: {  	s5 =	simm.s32 @p1 $0x1;
	p0 =	seq.s32 s7, s2  }
0x1e: {  	s7 =	smul.u32 @!p0 $0xF7A, s2;
	p2 =	seq.s32 @!p0 s5, $0x0  }
0x1f: {  	s9 =	smul.u32 $0xF7A, s1;
	s8 =	simm.s32 @!p0 $0x1BF5;
	p2 =	por !p2, p0  }
0x20: {  	[sflag:s8] =	ssyncset.s32 @!p0 $0xFFFFF086;
	s6 =	sadd.s32 @!p0 s3, s7;
	s7 =	simm.s32 @!p0 $0x108  }
0x21: {  	s3 =	sadd.s32 s3, s9;
	s6 =	sadd.s32 @!p0 $0x88, s6;
	s7 =	simm.s32 @p2 $0x1082  }
0x22: {  	[simem:s7], [sflag:s8] =	dma.local @!p0 [hbm:s6], $0xF7A  }
0x23: {  	s9 =	sor.u32 $0xD0000000, s2;
	s6 =	simm.s32 $0x108;
	_ =	swait.ge @!p0 [sflag:s8], $0x0  }
0x24: {  	s3 =	sadd.s32 $0x88, s3;
	s6 =	simm.s32 @!p1 $0x1082;
	[sflag:s4] =	ssyncset.s32 $0xFFFFF086  }
0x25: {  	[simem:s6], [sflag:s4] =	dma.local [hbm:s3], $0xF7A  }
0x26: {  	[smem:$0x3F8B] =	sst s1;
	(tag) =	ssettag s2;
	_ =	strace s9  }
0x27: {  	s1 =	sld [smem:$0x3F9B]  }
0x28: {  	s2 =	sld [smem:$0x3F9C]  }
0x29: {  	s4 =	sld [smem:$0x3F9E]  }
0x2a: {  	p0 =	seq.s32 s5, $0x0;
	s5 =	sld [smem:$0x3F9F]  }
0x2b: {  	s6 =	sld [smem:$0x3FA0]  }
0x2c: {  	s7 =	sld [smem:$0x3FA1]  }
0x2d: {  	s3 =	simm.s32 $0x108;
	s8 =	sld [smem:$0x3FA2]  }
0x2e: {  	s3 =	simm.s32 @!p0 $0x1082;
	s9 =	sld [smem:$0x3FA3]  }
0x2f: {  	lr =	sadd.s32 s0, s3;
	s0 =	sld [smem:$0x3F9A]  }
0x30: {  	s3 =	sld [smem:$0x3F9D]  }
0x31: {  	[smem:$0x3FA6] =	sst s10  }
0x32: {  	s10 =	sld [smem:$0x3FA4];
	_ =	sdelay $0x3  }
0x33: {  	p0 =	seq.s32 s10, $0x1;
	s10 =	sld [smem:$0x3FA6];
	_ =	sdelay $0x3  }
0x34: {  	[smem:$0x3FA6] =	sst s10  }
0x35: {  	s10 =	sld [smem:$0x3FA5];
	_ =	sdelay $0x3  }
0x36: {  	p1 =	seq.s32 s10, $0x1;
	s10 =	sld [smem:$0x3FA6];
	_ =	sdelay $0x3  }
0x37: {  	[smem:$0x3FA6] =	sst s10  }
0x38: {  	s10 =	sld [smem:$0x3FA7]  }
0x39: {  	_ = 	snop;
	(pc) =	sbr.ind lr, $3  }
0x3a: {  	_ = 	snop  }
0x3b: {  	_ = 	snop  }
0x3c: {  	p2 =	seq.s32 s10, $0x1;
	s10 =	sld [smem:$0x3FA6]  }
0x3d: {  	_ =	shalt  }
0x3e: {  	_ =	shalt  }
0x3f: {  	_ =	shalt  }
0x40: {  	_ =	shalt  }
0x41: {  	_ =	shalt  }
0x42: {  	_ =	shalt  }
0x43: {  	_ =	shalt  }
0x44: {  	_ =	shalt  }
0x45: {  	_ =	shalt  }
0x46: {  	_ =	shalt  }
0x47: {  	_ =	shalt  }
0x48: {  	_ =	shalt  }
0x49: {  	_ =	shalt  }
0x4a: {  	_ =	shalt  }
0x4b: {  	_ =	shalt  }
0x4c: {  	_ =	shalt  }
0x4d: {  	_ =	shalt  }
0x4e: {  	_ =	shalt  }
0x4f: {  	_ =	shalt  }
0x50: {  	_ =	shalt  }
0x51: {  	_ =	shalt  }
0x52: {  	_ =	shalt  }
0x53: {  	_ =	shalt  }
0x54: {  	_ =	shalt  }
0x55: {  	_ =	shalt  }
0x56: {  	_ =	shalt  }
0x57: {  	_ =	shalt  }
0x58: {  	_ =	shalt  }
0x59: {  	_ =	shalt  }
0x5a: {  	_ =	shalt  }
0x5b: {  	_ =	shalt  }
0x5c: {  	_ =	shalt  }
0x5d: {  	_ =	shalt  }
0x5e: {  	_ =	shalt  }
0x5f: {  	_ =	shalt  }
0x60: {  	_ =	shalt  }
0x61: {  	_ =	shalt  }
0x62: {  	_ =	shalt  }
0x63: {  	_ =	shalt  }
0x64: {  	_ =	shalt  }
0x65: {  	_ =	shalt  }
0x66: {  	_ =	shalt  }
0x67: {  	_ =	shalt  }
0x68: {  	_ =	shalt  }
0x69: {  	_ =	shalt  }
0x6a: {  	_ =	shalt  }
0x6b: {  	_ =	shalt  }
0x6c: {  	_ =	shalt  }
0x6d: {  	_ =	shalt  }
0x6e: {  	_ =	shalt  }
0x6f: {  	_ =	shalt  }
0x70: {  	_ =	shalt  }
0x71: {  	_ =	shalt  }
0x72: {  	_ =	shalt  }
0x73: {  	_ =	shalt  }
0x74: {  	_ =	shalt  }
0x75: {  	_ =	shalt  }
0x76: {  	_ =	shalt  }
0x77: {  	_ =	shalt  }
0x78: {  	_ =	shalt  }
0x79: {  	_ =	shalt  }
0x7a: {  	_ =	shalt  }
0x7b: {  	_ =	shalt  }
0x7c: {  	_ =	shalt  }
0x7d: {  	_ =	shalt  }
0x7e: {  	_ =	shalt  }
0x7f: {  	_ =	shalt  }
0x80: {  	_ =	shalt  }
0x81: {  	_ =	shalt  }
0x82: {  	_ =	shalt  }
0x83: {  	_ =	shalt  }
0x84: {  	_ =	shalt  }
0x85: {  	_ =	shalt  }
0x86: {  	_ =	shalt  }
0x87: {  	_ =	shalt  }
.Lfunc_end0:
.L_simem_size_0:
called_computation.1_lowered:
.L_overlay_start_0:
0x88: {  	s2 =	sld [smem:$0x3FD9]  }
0x89: {  	s3 =	sld [smem:$0x3FFE];
	_ =	sdelay $0x1  }
0x8a: {  	s1 =	srdreg.scid  }
0x8b: {  	s0 =	sand.u32 $0x1, s1  }
0x8c: {  	s16 =	sshll.u32 s0, $0xA;
	s2 =	sadd.s32 s3, s2  }
0x8d: {  	s2 =	sadd.s32 s2, s16  }
0x8e: {  	[smem:$0x3FB2] =	sst s2  }
0x8f: {  	_ = 	snop  }
0x90: {  	(tm) =	ssettm $0x1  }
0x91: {  	s17 =	sld [smem:$0x3FFB];
	_ =	sdelay $0x3  }
0x92: {  	_ =	strace s17  }
0x93: {  	s2 =	sld [smem:$0x3FFC];
	_ =	sdelay $0x3  }
0x94: {  	_ =	strace s2  }
0x95: {  	s2 =	sld [smem:$0x3FFD];
	_ =	sdelay $0x3  }
0x96: {  	_ =	strace s2  }
0x97: {  	_ =	strace $0x8FFFFFFF  }
0x98: {  	s18 =	sld [smem:$0x3FDB];
	_ =	sdelay $0x1  }
0x99: {  	s19 =	simm.s32 $_scs_section_size  }
0x9a: {  	s4 =	simm.s32 $_size__tile_overlayer_lowered;
	s5 =	simm.s32 $_tile_overlayer_lowered  }
0x9b: {  	s22 =	simm.s32 $0x1BFF;
	s21 =	sshll.u32 s5, $0x1;
	s2 =	sadd.s32 s19, s18  }
0x9c: {  	s6 =	simm.s32 $0x0;
	s20 =	sshll.u32 s4, $0x1;
	s4 =	sadd.s32 s21, s2  }
0x9d: {  	[timem:s6], [sflag:s22] =	dma.local [hbm:s4], s20  }
0x9e: {  	_ =	swait.ge [sflag:s22], s20  }
0x9f: {  	s3 =	ssub.s32 $0x0, s20;
	[sflag:s22] =	ssyncset.done $0x0  }
0xa0: {  	[sflag:s22] =	ssyncadd.s32 s3;
	_ =	sdelay $0x1  }
0xa1: {  	s23 =	simm.s32 $0x1B8B  }
0xa2: {  	_ =	swait.ge [sflag:s23], $0x1  }
0xa3: {  	[sflag:s23] =	ssyncset.done $0x0  }
0xa4: {  	s25 =	simm.s32 $0x1B8E;
	s24 =	sld [smem:$0x3FFE];
	[sflag:s23] =	ssyncadd.s32 $0xFFFFFFFF  }
0xa5: {  	s26 =	simm.s32 $execute0_lowered;
	[smem:$0x3FD2] =	sst s25  }
0xa6: {  	s4 =	sshll.u32 s26, $0x1;
	_ =	strace $0x80000049;
	[dreg:$0x1] =	wrdreg $0xFFFFFFFF  }
0xa7: {  	s28 =	simm.s32 $_size_execute0_lowered;
	s2 =	sadd.s32 s2, s4;
	[dreg:$0x0] =	wrdreg $0x0  }
0xa8: {  	s4 =	sshll.u32 s28, $0x1;
	[dreg:$0x2] =	wrdreg s2  }
0xa9: {  	[dreg:$0x3] =	wrdreg s4  }
0xaa: {  	[dreg:$0x4] =	wrdreg $0xC0  }
0xab: {  	_ =	task [dreg:s6], $0x5FFFF  }
0xac: {  	[dreg:$0x1] =	wrdreg $0xFFFFFFFF  }
0xad: {  	[dreg:$0x0] =	wrdreg $0x60  }
0xae: {  	[dreg:$0x2] =	wrdreg s24  }
0xaf: {  	[dreg:$0x3] =	wrdreg $0x90000  }
0xb0: {  	[dreg:$0x4] =	wrdreg $0x9  }
0xb1: {  	_ =	task.clear_ibuf [dreg:s6], $0x5FFFF;
	_ =	strace $0x90000049  }
0xb2: {  	s29 =	simm.s32 $0x9;
	_ =	strace $0x8000004B  }
0xb3: {  	_ =	swait.ge [sflag:s29], $0x1  }
0xb4: {  	[sflag:s29] =	ssyncadd.s32 $0xFFFFFFFF  }
0xb5: {  	_ =	strace $0x9000004B  }
0xb6: {  	_ =	sfence  }
0xb7: {  	s30 =	sld [smem:$0x0];
	_ =	sdelay $0x2  }
0xb8: {  	s31 =	sshll.u32 s1, $0xD;
	s1 =	sshrl.u32 s1, $0x2  }
0xb9: {  	s3 =	sand.u32 $0x4000, s31;
	s1 =	sadd.s32 s1, s30  }
0xba: {  	s0 =	sor.u32 s3, s0;
	s1 =	sshll.u32 s1, $0x11  }
0xbb: {  	s0 =	sor.u32 s1, s0  }
0xbc: {  	s0 =	sadd.s32 $0x8F2B, s0  }
0xbd: {  	[sflag:s0] =	ssyncadd.remote.s32 $0x1  }
0xbe: {  	_ =	sfence.sel $0xFFFF  }
0xbf: {  	[dreg:$0x0] =	wrdreg $0xFFFFFFFF;
	(pc) =	sbr.abs _section_cstart, $3  }
0xc0: {  	[dreg:$0x1] =	wrdreg $0xFFFFFFFF  }
0xc1: {  	_ =	task.clear_ibuf [dreg:s6], $0x2FFFF;
	_ =	strace $0x9FFFFFFF  }
0xc2: {  	(tm) =	ssettm $0x7FFFFFFF  }
0xc3: {  	_ =	shalt  }
tec
execute0_lowered:
.L_overlay_start_1:
0x0: {  	(tag) =	ssettag $0x1  }
0x1: {  	s6 =	rddreg [dreg:$0x0]  }
0x2: {  	s1 =	srdreg.scid;
	s0 =	stileid.u32  }
0x3: {  	s2 =	rddreg [dreg:$0x1];
	s4 =	smul.u32 $0x2800, s0  }
0x4: {  	s3 =	simm.s32 $0x0;
	s16 =	simm.s32 $0x2800;
	s9 =	smul.u32 $0x13C00, s0  }
0x5: {  	s17 =	simm.s32 $0x7D;
	s5 =	sand.u32 $0x1, s1;
	s11 =	smul.u32 $0x4E200, s0  }
0x6: {  	s18 =	simm.s32 $0x1;
	s1 =	rddreg [dreg:$0x2];
	s7 =	smul.u32 $0x28000, s5  }
0x7: {  	[smem:$0x7FF] =	sst s3;
	s19 =	sshll.u32 s0, $0x6;
	s8 =	smul.u32 $0x13C000, s5  }
0x8: {  	_ =	strace $0x8000004A;
	s29 =	ssub.s32 $0x2, s5;
	s19 =	sor.u32 $0x1C02, s19  }
0x9: {  	s10 =	sshrl.u32 s4, $0x3;
	s30 =	sshrl.u32 s11, $0x2;
	s31 =	sshrl.u32 s29, $0x1  }
0xa: {  	s7 =	sadd.s32 s4, s7;
	s4 =	sadd.s32 $0x68400, s6;
	s13 =	sadd.s32 s10, s6  }
0xb: {  	s28 =	sadd.s32 s9, s8;
	s5 =	sadd.s32 s30, s2;
	s15 =	ssub.s32 s29, s31  }
0xc: {  	s7 =	sshrl.u32 s7, $0x3;
	s8 =	sadd.s32 $0xBB80, s5;
	s9 =	sadd.s32 $0xFA00, s5  }
0xd: {  	s11 =	sadd.s32 $0x59400, s13;
	s13 =	smax.u32 s15, $0x1;
	s15 =	simm.s32 $0x2  }
0xe: {  	s20 =	sshrl.u32 s5, $0x3;
	s12 =	sadd.s32 s7, s6;
	s7 =	sshrl.u32 s28, $0x3  }
0xf: {  	s14 =	sadd.s32 s7, s6;
	s6 =	sadd.s32 $0x3E80, s5;
	s7 =	sadd.s32 $0x7D00, s5  }
0x10: {  	v0 =	vimm.f32 $0.0e+00;
	s10 =	sadd.s32 $0x5E400, s12;
	s12 =	sadd.s32 $0xB6600, s14;
	s14 =	simm.s32 $0x5000  }
.LBB2_1:
0x11: {  	s21 =	simm.s32 $0x0;
	s22 =	simm.s32 $0x200  }
.LBB2_2:
0x12: {  	p0 =	sne.s32 s22, $0xF800;
	[tilespmem:s21+$0x5070] =	vst v0  }
0x13: {  	[tilespmem:s21+$0x5000] =	vst v0  }
0x14: {  	[tilespmem:s21+$0x5010] =	vst v0  }
.Ltmp0:
0x15: {  	[tilespmem:s21+$0x5020] =	vst v0;
	(pc) =	sbr.rel @p0 .LBB2_2-.Ltmp0, $4  }
0x16: {  	[tilespmem:s21+$0x5030] =	vst v0  }
0x17: {  	[tilespmem:s21+$0x5040] =	vst v0  }
0x18: {  	[tilespmem:s21+$0x5050] =	vst v0  }
0x19: {  	[tilespmem:s21+$0x5060] =	vst v0;
	s21 =	sshra.s32 s22, $0x2;
	s22 =	sadd.s32 $0x200, s22  }
0x1a: {  	[tilespmem:s21+$0x5070] =	vst v0  }
0x1b: {  	[tilespmem:s21+$0x5000] =	vst v0  }
0x1c: {  	[tilespmem:s21+$0x5010] =	vst v0  }
0x1d: {  	[tilespmem:s21+$0x5020] =	vst v0  }
0x1e: {  	[tilespmem:s21+$0x5030] =	vst v0  }
0x1f: {  	[tilespmem:s21+$0x5040] =	vst v0  }
0x20: {  	[tilespmem:s21+$0x5050] =	vst v0  }
0x21: {  	[tilespmem:s21+$0x5060] =	vst v0  }
0x22: {  	[spmem:s5] =	stream.linear.scatter [tilespmem:s14], [sflag:$0x2], $0x3E80, $0x38;
	[tilespmem:$0x1C880] =	vst v63  }
0x23: {  	_ =	swait.ge [sflag:s15], $0x3E80  }
0x24: {  	[sflag:s15] =	ssyncset.done $0x0  }
0x25: {  	[sflag:s15] =	ssyncadd.s32 $0xFFFFC180  }
0x26: {  	[spmem:s6] =	stream.linear.scatter [tilespmem:s14], [sflag:$0x2], $0x3E80, $0x38;
	[tilespmem:$0x1C880] =	vst v63  }
0x27: {  	_ =	swait.ge [sflag:s15], $0x3E80  }
0x28: {  	[sflag:s15] =	ssyncset.done $0x0  }
0x29: {  	[sflag:s15] =	ssyncadd.s32 $0xFFFFC180  }
0x2a: {  	[spmem:s7] =	stream.linear.scatter [tilespmem:s14], [sflag:$0x2], $0x3E80, $0x38;
	[tilespmem:$0x1C880] =	vst v63  }
0x2b: {  	_ =	swait.ge [sflag:s15], $0x3E80  }
0x2c: {  	[sflag:s15] =	ssyncset.done $0x0  }
0x2d: {  	[sflag:s15] =	ssyncadd.s32 $0xFFFFC180  }
0x2e: {  	[spmem:s8] =	stream.linear.scatter [tilespmem:s14], [sflag:$0x2], $0x3E80, $0x38;
	[tilespmem:$0x1C880] =	vst v63  }
0x2f: {  	_ =	swait.ge [sflag:s15], $0x3E80  }
0x30: {  	[sflag:s15] =	ssyncset.done $0x0  }
0x31: {  	[sflag:s15] =	ssyncadd.s32 $0xFFFFC180  }
0x32: {  	[spmem:s9] =	stream.linear.scatter [tilespmem:s14], [sflag:$0x2], $0x3E80, $0x38;
	[tilespmem:$0x1C880] =	vst v63  }
0x33: {  	_ =	swait.ge [sflag:s15], $0x3E80  }
0x34: {  	[sflag:s15] =	ssyncset.done $0x0  }
0x35: {  	s29 =	simm.s32 $0x0;
	[sflag:s15] =	ssyncadd.s32 $0xFFFFC180  }
0x36: {  	[tilespmem:s29], [sflag:$0x2] =	stream.linear.gather [hbm4b:s10+s29], $0x2800, $0x38;
	[tilespmem:$0x1C880] =	vst v63  }
0x37: {  	_ =	swait.ge [sflag:s15], $0x2800  }
0x38: {  	[sflag:s15] =	ssyncset.done $0x0  }
0x39: {  	[sflag:s15] =	ssyncadd.s32 $0xFFFFD800  }
0x3a: {  	[tilespmem:s16], [sflag:$0x2] =	stream.linear.gather [hbm4b:s11+s29], $0x2800, $0x38;
	[tilespmem:$0x1C880] =	vst v63  }
0x3b: {  	_ =	swait.ge [sflag:s15], $0x2800  }
0x3c: {  	[sflag:s15] =	ssyncset.done $0x0  }
0x3d: {  	[sflag:s15] =	ssyncadd.s32 $0xFFFFD800  }
0x3e: {  	s30 =	simm.s32 $0x0;
	[bflag:$0x0] =	sbarrier.arrive $0xFFFF  }
0x3f: {  	[tilespmem:s14], [sflag:$0x1] =	stream.indirect.gather [hbm4b:s4+s17], $0x80, s30, s17, $0xb8;
	[tilespmem:$0x1C880] =	vst v63  }
0x40: {  	_ =	swait.ge [sflag:s18], $0x3E80  }
0x41: {  	[sflag:s18] =	ssyncset.done $0x0  }
0x42: {  	s31 =	simm.s32 $0x2800;
	[sflag:s18] =	ssyncadd.s32 $0xFFFFC180  }
0x43: {  	[spmem:s2] =	stream.indirect.scatter.add.f32 [tilespmem:s14], [sflag:$0x2], $0x80, s31, s17, $0xb8;
	[tilespmem:$0x1C880] =	vst v63  }
0x44: {  	_ =	swait.ge [sflag:s15], $0x3E80  }
0x45: {  	s21 =	simm.s32 $0x200;
	s22 =	simm.s32 $0x400;
	[sflag:s15] =	ssyncset.done $0x0  }
.LBB2_4:
0x46: {  	s23 =	sshra.s32 s21, $0x2  }
0x47: {  	[sflag:s15] =	ssyncadd.s32 $0xFFFFC180;
	s21 =	smov.u32 s22;
	s24 =	sadd.s32 $0x200, s22  }
0x48: {  	[tilespmem:s14], [sflag:$0x1] =	stream.indirect.gather [hbm4b:s4+s17], $0x80, s23, s17, $0xb8;
	[tilespmem:$0x1C880] =	vst v63  }
0x49: {  	p0 =	sne.s32 s22, $0x9E00;
	_ =	swait.ge [sflag:s18], $0x3E80  }
.Ltmp1:
0x4a: {  	[sflag:s18] =	ssyncset.done $0x0;
	(pc) =	sbr.rel @p0 .LBB2_4-.Ltmp1, $4  }
0x4b: {  	s22 =	sadd.s32 $0x2800, s23;
	[sflag:s18] =	ssyncadd.s32 $0xFFFFC180  }
0x4c: {  	[spmem:s2] =	stream.indirect.scatter.add.f32 [tilespmem:s14], [sflag:$0x2], $0x80, s22, s17, $0xb8;
	[tilespmem:$0x1C880] =	vst v63  }
0x4d: {  	_ =	swait.ge [sflag:s15], $0x3E80  }
0x4e: {  	s22 =	smov.u32 s24;
	[sflag:s15] =	ssyncset.done $0x0  }
0x4f: {  	s21 =	sshra.s32 s21, $0x2;
	[sflag:s15] =	ssyncadd.s32 $0xFFFFC180  }
0x50: {  	[tilespmem:s14], [sflag:$0x1] =	stream.indirect.gather [hbm4b:s4+s17], $0x80, s21, s17, $0xb8;
	[tilespmem:$0x1C880] =	vst v63  }
0x51: {  	_ =	swait.ge [sflag:s18], $0x3E80  }
0x52: {  	[sflag:s18] =	ssyncset.done $0x0  }
0x53: {  	s21 =	sadd.s32 $0x2800, s21;
	[sflag:s18] =	ssyncadd.s32 $0xFFFFC180  }
0x54: {  	[spmem:s2] =	stream.indirect.scatter.add.f32 [tilespmem:s14], [sflag:$0x2], $0x80, s21, s17, $0xb8;
	[tilespmem:$0x1C880] =	vst v63  }
0x55: {  	_ =	swait.ge [sflag:s15], $0x3E80  }
0x56: {  	s3 =	sadd.s32 $0x1, s3;
	[sflag:s15] =	ssyncset.done $0x0  }
0x57: {  	p0 =	sne.s32 s3, s13;
	[sflag:s15] =	ssyncadd.s32 $0xFFFFC180  }
.Ltmp2:
0x58: {  	[bflag:$0x0] =	sbarrier.arrive $0xFFFF;
	(pc) =	sbr.rel @p0 .LBB2_1-.Ltmp2, $4  }
0x59: {  	[hbm:s12], [sflag:s19] =	dma.local [spmem:s20], $0x2710  }
0x5a: {  	_ =	swait.ge [sflag:s15], $0x2710  }
0x5b: {  	[sflag:s15] =	ssyncset.done $0x0  }
0x5c: {  	[sflag:s15] =	ssyncadd.s32 $0xFFFFD8F0  }
0x5d: {  	_ =	sfence.sel $0x180000  }
0x5e: {  	[bflag:$0x0] =	sbarrier.arrive $0xFFFF  }
0x5f: {  	p0 =	sne.s32 s0, $0x0;
	_ =	strace $0x9000004A  }
0x60: {  	s0 =	sadd.s32 @!p0 $0x100000, s1;
	[bflag:$0x2] =	sbarrier.arrive $0xFFFF  }
0x61: {  	[sflag:s0] =	ssyncadd.tile.s32 @!p0 $0x1;
	_ =	shalt  }
.Lfunc_end2:
_tile_overlayer_lowered:
.L_overlay_start_2:
0x62: {  	(tag) =	ssettag $0x2  }
0x63: {  	s0 =	rddreg [dreg:$0x0];
	s2 =	stileid.u32  }
0x64: {  	s1 =	rddreg [dreg:$0x1];
	p0 =	sne.s32 s2, $0x0  }
0x65: {  	s3 =	rddreg [dreg:$0x2];
	[bflag:$0x3] =	sbarrier.arrive $0xFFFF;
	s2 =	simm.s32 @!p0 $0x1C02  }
0x66: {  	[timem:s3], [sflag:s2] =	dma.local @!p0 [hbm:s0], s1  }
0x67: {  	s0 =	simm.s32 @!p0 $0x2  }
0x68: {  	_ =	swait.ge @!p0 [sflag:s0], s1  }
0x69: {  	s1 =	ssub.s32 @!p0 $0x0, s1;
	[sflag:s0] =	ssyncset.done @!p0 $0x0  }
0x6a: {  	[sflag:s0] =	ssyncadd.s32 @!p0 s1  }
0x6b: {  	[bflag:$0x3] =	sbarrier.arrive $0xFFFF  }
0x6c: {  	_ =	shalt  }

// kernel: kernel.14.cloned.1.call-start
scs
__scs_entry_jumppad:
0x0: {  	(pc) =	sbr.rel $0x88, $3  }
0x1: {  	(tag) =	ssettag $0x0;
	lr =	simm.s32 $0x1  }
0x2: {  	[smem:$0x3F8B] =	sst lr;
	_ =	strace $0xD0000000  }
0x3: {  	_ = 	snop  }
0x4: {  	_ = 	snop  }
0x5: {  	_ = 	snop  }
0x6: {  	_ = 	snop  }
0x7: {  	_ = 	snop  }
__scs_overlays_trampoline_lowered:
0x8: {  	[smem:$0x3F9A] =	sst s0  }
0x9: {  	[smem:$0x3F9B] =	sst s1  }
0xa: {  	[smem:$0x3F9C] =	sst s2  }
0xb: {  	[smem:$0x3F9D] =	sst s3  }
0xc: {  	[smem:$0x3F9E] =	sst s4  }
0xd: {  	[smem:$0x3F9F] =	sst s5  }
0xe: {  	[smem:$0x3FA0] =	sst s6  }
0xf: {  	[smem:$0x3FA1] =	sst s7  }
0x10: {  	[smem:$0x3FA2] =	sst s8  }
0x11: {  	[smem:$0x3FA3] =	sst s9;
	s0 =	simm.s32 @!p0 $0x0  }
0x12: {  	s1 =	sld [smem:$0x3F89];
	s0 =	simm.s32 @p0 $0x1  }
0x13: {  	[smem:$0x3FA4] =	sst s0;
	s0 =	simm.s32 @!p1 $0x0  }
0x14: {  	s2 =	sld [smem:$0x3F88];
	s0 =	simm.s32 @p1 $0x1  }
0x15: {  	[smem:$0x3FA5] =	sst s0;
	s0 =	simm.s32 @!p2 $0x0  }
0x16: {  	s3 =	sld [smem:$0x3FDB];
	s0 =	simm.s32 @p2 $0x1  }
0x17: {  	s4 =	simm.s32 $0x1BF5;
	[smem:$0x3FA7] =	sst s0  }
0x18: {  	s0 =	sld [smem:$0x3F8A];
	_ =	swait.ge [sflag:s4], $0x0  }
0x19: {  	s7 =	sld [smem:$0x3F8B]  }
0x1a: {  	s8 =	sadd.s32 $0xFFFFE003, lr  }
0x1b: {  	s9 =	sadd.s32 $0xFFFFFEF7, lr;
	s5 =	simm.s32 $0xFFFFFFFF;
	p2 =	slt.u32 s8, $0xFFFFF086  }
0x1c: {  	p1 =	slt.u32 s9, $0xF7A;
	s5 =	simm.s32 @!p2 $0x0  }
0x1d: {  	s5 =	simm.s32 @p1 $0x1;
	p0 =	seq.s32 s7, s2  }
0x1e: {  	s7 =	smul.u32 @!p0 $0xF7A, s2;
	p2 =	seq.s32 @!p0 s5, $0x0  }
0x1f: {  	s9 =	smul.u32 $0xF7A, s1;
	s8 =	simm.s32 @!p0 $0x1BF5;
	p2 =	por !p2, p0  }
0x20: {  	[sflag:s8] =	ssyncset.s32 @!p0 $0xFFFFF086;
	s6 =	sadd.s32 @!p0 s3, s7;
	s7 =	simm.s32 @!p0 $0x108  }
0x21: {  	s3 =	sadd.s32 s3, s9;
	s6 =	sadd.s32 @!p0 $0x88, s6;
	s7 =	simm.s32 @p2 $0x1082  }
0x22: {  	[simem:s7], [sflag:s8] =	dma.local @!p0 [hbm:s6], $0xF7A  }
0x23: {  	s9 =	sor.u32 $0xD0000000, s2;
	s6 =	simm.s32 $0x108;
	_ =	swait.ge @!p0 [sflag:s8], $0x0  }
0x24: {  	s3 =	sadd.s32 $0x88, s3;
	s6 =	simm.s32 @!p1 $0x1082;
	[sflag:s4] =	ssyncset.s32 $0xFFFFF086  }
0x25: {  	[simem:s6], [sflag:s4] =	dma.local [hbm:s3], $0xF7A  }
0x26: {  	[smem:$0x3F8B] =	sst s1;
	(tag) =	ssettag s2;
	_ =	strace s9  }
0x27: {  	s1 =	sld [smem:$0x3F9B]  }
0x28: {  	s2 =	sld [smem:$0x3F9C]  }
0x29: {  	s4 =	sld [smem:$0x3F9E]  }
0x2a: {  	p0 =	seq.s32 s5, $0x0;
	s5 =	sld [smem:$0x3F9F]  }
0x2b: {  	s6 =	sld [smem:$0x3FA0]  }
0x2c: {  	s7 =	sld [smem:$0x3FA1]  }
0x2d: {  	s3 =	simm.s32 $0x108;
	s8 =	sld [smem:$0x3FA2]  }
0x2e: {  	s3 =	simm.s32 @!p0 $0x1082;
	s9 =	sld [smem:$0x3FA3]  }
0x2f: {  	lr =	sadd.s32 s0, s3;
	s0 =	sld [smem:$0x3F9A]  }
0x30: {  	s3 =	sld [smem:$0x3F9D]  }
0x31: {  	[smem:$0x3FA6] =	sst s10  }
0x32: {  	s10 =	sld [smem:$0x3FA4];
	_ =	sdelay $0x3  }
0x33: {  	p0 =	seq.s32 s10, $0x1;
	s10 =	sld [smem:$0x3FA6];
	_ =	sdelay $0x3  }
0x34: {  	[smem:$0x3FA6] =	sst s10  }
0x35: {  	s10 =	sld [smem:$0x3FA5];
	_ =	sdelay $0x3  }
0x36: {  	p1 =	seq.s32 s10, $0x1;
	s10 =	sld [smem:$0x3FA6];
	_ =	sdelay $0x3  }
0x37: {  	[smem:$0x3FA6] =	sst s10  }
0x38: {  	s10 =	sld [smem:$0x3FA7]  }
0x39: {  	_ = 	snop;
	(pc) =	sbr.ind lr, $3  }
0x3a: {  	_ = 	snop  }
0x3b: {  	_ = 	snop  }
0x3c: {  	p2 =	seq.s32 s10, $0x1;
	s10 =	sld [smem:$0x3FA6]  }
0x3d: {  	_ =	shalt  }
0x3e: {  	_ =	shalt  }
0x3f: {  	_ =	shalt  }
0x40: {  	_ =	shalt  }
0x41: {  	_ =	shalt  }
0x42: {  	_ =	shalt  }
0x43: {  	_ =	shalt  }
0x44: {  	_ =	shalt  }
0x45: {  	_ =	shalt  }
0x46: {  	_ =	shalt  }
0x47: {  	_ =	shalt  }
0x48: {  	_ =	shalt  }
0x49: {  	_ =	shalt  }
0x4a: {  	_ =	shalt  }
0x4b: {  	_ =	shalt  }
0x4c: {  	_ =	shalt  }
0x4d: {  	_ =	shalt  }
0x4e: {  	_ =	shalt  }
0x4f: {  	_ =	shalt  }
0x50: {  	_ =	shalt  }
0x51: {  	_ =	shalt  }
0x52: {  	_ =	shalt  }
0x53: {  	_ =	shalt  }
0x54: {  	_ =	shalt  }
0x55: {  	_ =	shalt  }
0x56: {  	_ =	shalt  }
0x57: {  	_ =	shalt  }
0x58: {  	_ =	shalt  }
0x59: {  	_ =	shalt  }
0x5a: {  	_ =	shalt  }
0x5b: {  	_ =	shalt  }
0x5c: {  	_ =	shalt  }
0x5d: {  	_ =	shalt  }
0x5e: {  	_ =	shalt  }
0x5f: {  	_ =	shalt  }
0x60: {  	_ =	shalt  }
0x61: {  	_ =	shalt  }
0x62: {  	_ =	shalt  }
0x63: {  	_ =	shalt  }
0x64: {  	_ =	shalt  }
0x65: {  	_ =	shalt  }
0x66: {  	_ =	shalt  }
0x67: {  	_ =	shalt  }
0x68: {  	_ =	shalt  }
0x69: {  	_ =	shalt  }
0x6a: {  	_ =	shalt  }
0x6b: {  	_ =	shalt  }
0x6c: {  	_ =	shalt  }
0x6d: {  	_ =	shalt  }
0x6e: {  	_ =	shalt  }
0x6f: {  	_ =	shalt  }
0x70: {  	_ =	shalt  }
0x71: {  	_ =	shalt  }
0x72: {  	_ =	shalt  }
0x73: {  	_ =	shalt  }
0x74: {  	_ =	shalt  }
0x75: {  	_ =	shalt  }
0x76: {  	_ =	shalt  }
0x77: {  	_ =	shalt  }
0x78: {  	_ =	shalt  }
0x79: {  	_ =	shalt  }
0x7a: {  	_ =	shalt  }
0x7b: {  	_ =	shalt  }
0x7c: {  	_ =	shalt  }
0x7d: {  	_ =	shalt  }
0x7e: {  	_ =	shalt  }
0x7f: {  	_ =	shalt  }
0x80: {  	_ =	shalt  }
0x81: {  	_ =	shalt  }
0x82: {  	_ =	shalt  }
0x83: {  	_ =	shalt  }
0x84: {  	_ =	shalt  }
0x85: {  	_ =	shalt  }
0x86: {  	_ =	shalt  }
0x87: {  	_ =	shalt  }
.Lfunc_end0:
.L_simem_size_0:
called_computation.2_lowered:
.L_overlay_start_0:
0x88: {  	s2 =	sld [smem:$0x3FD9]  }
0x89: {  	s3 =	sld [smem:$0x3FFE];
	_ =	sdelay $0x1  }
0x8a: {  	s1 =	srdreg.scid  }
0x8b: {  	s0 =	sand.u32 $0x1, s1  }
0x8c: {  	s16 =	sshll.u32 s0, $0xA;
	s2 =	sadd.s32 s3, s2  }
0x8d: {  	s2 =	sadd.s32 s2, s16  }
0x8e: {  	[smem:$0x3FB2] =	sst s2  }
0x8f: {  	_ = 	snop  }
0x90: {  	(tm) =	ssettm $0x1  }
0x91: {  	s17 =	sld [smem:$0x3FFB];
	_ =	sdelay $0x3  }
0x92: {  	_ =	strace s17  }
0x93: {  	s2 =	sld [smem:$0x3FFC];
	_ =	sdelay $0x3  }
0x94: {  	_ =	strace s2  }
0x95: {  	s2 =	sld [smem:$0x3FFD];
	_ =	sdelay $0x3  }
0x96: {  	_ =	strace s2  }
0x97: {  	_ =	strace $0x8FFFFFFF  }
0x98: {  	s18 =	sld [smem:$0x3FDB];
	_ =	sdelay $0x1  }
0x99: {  	s19 =	simm.s32 $_scs_section_size  }
0x9a: {  	s4 =	simm.s32 $_size__tile_overlayer_lowered;
	s5 =	simm.s32 $_tile_overlayer_lowered  }
0x9b: {  	s22 =	simm.s32 $0x1BFF;
	s21 =	sshll.u32 s5, $0x1;
	s2 =	sadd.s32 s19, s18  }
0x9c: {  	s6 =	simm.s32 $0x0;
	s20 =	sshll.u32 s4, $0x1;
	s4 =	sadd.s32 s21, s2  }
0x9d: {  	[timem:s6], [sflag:s22] =	dma.local [hbm:s4], s20  }
0x9e: {  	_ =	swait.ge [sflag:s22], s20  }
0x9f: {  	s3 =	ssub.s32 $0x0, s20;
	[sflag:s22] =	ssyncset.done $0x0  }
0xa0: {  	[sflag:s22] =	ssyncadd.s32 s3;
	_ =	sdelay $0x1  }
0xa1: {  	s23 =	simm.s32 $0x1B8B  }
0xa2: {  	_ =	swait.ge [sflag:s23], $0x1  }
0xa3: {  	[sflag:s23] =	ssyncset.done $0x0  }
0xa4: {  	s25 =	simm.s32 $0x1B8E;
	s24 =	sld [smem:$0x3FFE];
	[sflag:s23] =	ssyncadd.s32 $0xFFFFFFFF  }
0xa5: {  	s26 =	simm.s32 $execute0_lowered;
	[smem:$0x3FD2] =	sst s25  }
0xa6: {  	s4 =	sshll.u32 s26, $0x1;
	_ =	strace $0x8000004C;
	[dreg:$0x1] =	wrdreg $0xFFFFFFFF  }
0xa7: {  	s28 =	simm.s32 $_size_execute0_lowered;
	s2 =	sadd.s32 s2, s4;
	[dreg:$0x0] =	wrdreg $0x0  }
0xa8: {  	s4 =	sshll.u32 s28, $0x1;
	[dreg:$0x2] =	wrdreg s2  }
0xa9: {  	[dreg:$0x3] =	wrdreg s4  }
0xaa: {  	[dreg:$0x4] =	wrdreg $0xC0  }
0xab: {  	_ =	task [dreg:s6], $0x5FFFF  }
0xac: {  	[dreg:$0x1] =	wrdreg $0xFFFFFFFF  }
0xad: {  	[dreg:$0x0] =	wrdreg $0x60  }
0xae: {  	[dreg:$0x2] =	wrdreg s24  }
0xaf: {  	[dreg:$0x3] =	wrdreg $0xE8000  }
0xb0: {  	[dreg:$0x4] =	wrdreg $0x9  }
0xb1: {  	_ =	task.clear_ibuf [dreg:s6], $0x5FFFF;
	_ =	strace $0x9000004C  }
0xb2: {  	s29 =	simm.s32 $0x9;
	_ =	strace $0x8000004E  }
0xb3: {  	_ =	swait.ge [sflag:s29], $0x1  }
0xb4: {  	[sflag:s29] =	ssyncadd.s32 $0xFFFFFFFF  }
0xb5: {  	_ =	strace $0x9000004E  }
0xb6: {  	_ =	sfence  }
0xb7: {  	s30 =	sld [smem:$0x0];
	_ =	sdelay $0x2  }
0xb8: {  	s31 =	sshll.u32 s1, $0xD;
	s1 =	sshrl.u32 s1, $0x2  }
0xb9: {  	s3 =	sand.u32 $0x4000, s31;
	s1 =	sadd.s32 s1, s30  }
0xba: {  	s0 =	sor.u32 s3, s0;
	s1 =	sshll.u32 s1, $0x11  }
0xbb: {  	s0 =	sor.u32 s1, s0  }
0xbc: {  	s0 =	sadd.s32 $0x8F2B, s0  }
0xbd: {  	[sflag:s0] =	ssyncadd.remote.s32 $0x1  }
0xbe: {  	_ =	sfence.sel $0xFFFF  }
0xbf: {  	[dreg:$0x0] =	wrdreg $0xFFFFFFFF;
	(pc) =	sbr.abs _section_cstart, $3  }
0xc0: {  	[dreg:$0x1] =	wrdreg $0xFFFFFFFF  }
0xc1: {  	_ =	task.clear_ibuf [dreg:s6], $0x2FFFF;
	_ =	strace $0x9FFFFFFF  }
0xc2: {  	(tm) =	ssettm $0x7FFFFFFF  }
0xc3: {  	_ =	shalt  }
tec
execute0_lowered:
.L_overlay_start_1:
0x0: {  	(tag) =	ssettag $0x1  }
0x1: {  	s5 =	rddreg [dreg:$0x0]  }
0x2: {  	s1 =	rddreg [dreg:$0x1];
	s2 =	srdreg.scid  }
0x3: {  	s0 =	rddreg [dreg:$0x2];
	s3 =	simm.s32 $0x0;
	s13 =	simm.s32 $0xC000  }
0x4: {  	s14 =	simm.s32 $0x2;
	s15 =	simm.s32 $0x4000;
	s6 =	sand.u32 $0x1, s2  }
0x5: {  	s16 =	simm.s32 $0x50;
	s2 =	stileid.u32;
	s7 =	smul.u32 $0xA0000, s6  }
0x6: {  	[smem:$0x7FF] =	sst s3;
	s4 =	sadd.s32 $0x59400, s5;
	s8 =	smul.u32 $0xA000, s2  }
0x7: {  	_ =	strace $0x8000004D;
	s9 =	sshll.u32 s2, $0xB;
	s28 =	smul.u32 $0x27200, s2  }
0x8: {  	s29 =	ssub.s32 $0x2, s6;
	s17 =	smul.u32 $0x1388, s6;
	s18 =	sshll.u32 s2, $0x6  }
0x9: {  	s10 =	sadd.s32 s9, s5;
	s30 =	sshrl.u32 s29, $0x1;
	s18 =	sor.u32 $0x1C02, s18  }
0xa: {  	s7 =	sadd.s32 s8, s7;
	s31 =	sshrl.u32 s28, $0x2;
	s12 =	ssub.s32 s29, s30  }
0xb: {  	s8 =	sadd.s32 $0x10D600, s10;
	s10 =	sadd.s32 $0x105600, s10;
	s7 =	sshrl.u32 s7, $0x3  }
0xc: {  	v0 =	vmov s17;
	s17 =	simm.s32 $0x1;
	s11 =	sadd.s32 s7, s5;
	s5 =	sadd.s32 s31, s1  }
0xd: {  	s12 =	smax.u32 s12, $0x1;
	s6 =	sadd.s32 $0x2800, s5;
	s7 =	sadd.s32 $0x5000, s5  }
0xe: {  	v1 =	vimm.f32 $0.0e+00;
	s9 =	sadd.s32 $0x7800, s5;
	s11 =	sadd.s32 $0x80600, s11;
	s19 =	sshrl.u32 s5, $0x3  }
.LBB2_1:
0xf: {  	s20 =	simm.s32 $0x0;
	s21 =	simm.s32 $0x200  }
.LBB2_2:
0x10: {  	p0 =	sne.s32 s21, $0x9E00;
	[tilespmem:s20+$0xC070] =	vst v1  }
0x11: {  	[tilespmem:s20+$0xC000] =	vst v1  }
0x12: {  	[tilespmem:s20+$0xC010] =	vst v1  }
.Ltmp0:
0x13: {  	[tilespmem:s20+$0xC020] =	vst v1;
	(pc) =	sbr.rel @p0 .LBB2_2-.Ltmp0, $4  }
0x14: {  	[tilespmem:s20+$0xC030] =	vst v1  }
0x15: {  	[tilespmem:s20+$0xC040] =	vst v1  }
0x16: {  	[tilespmem:s20+$0xC050] =	vst v1  }
0x17: {  	[tilespmem:s20+$0xC060] =	vst v1;
	s20 =	sshra.s32 s21, $0x2;
	s21 =	sadd.s32 $0x200, s21  }
0x18: {  	[tilespmem:s20+$0xC070] =	vst v1  }
0x19: {  	[tilespmem:s20+$0xC000] =	vst v1  }
0x1a: {  	[tilespmem:s20+$0xC010] =	vst v1  }
0x1b: {  	[tilespmem:s20+$0xC020] =	vst v1  }
0x1c: {  	[tilespmem:s20+$0xC030] =	vst v1  }
0x1d: {  	[tilespmem:s20+$0xC040] =	vst v1  }
0x1e: {  	[tilespmem:s20+$0xC050] =	vst v1  }
0x1f: {  	[tilespmem:s20+$0xC060] =	vst v1  }
0x20: {  	[spmem:s5] =	stream.linear.scatter [tilespmem:s13], [sflag:$0x2], $0x2800, $0x38;
	[tilespmem:$0x18480] =	vst v63  }
0x21: {  	_ =	swait.ge [sflag:s14], $0x2800  }
0x22: {  	[sflag:s14] =	ssyncset.done $0x0  }
0x23: {  	[sflag:s14] =	ssyncadd.s32 $0xFFFFD800  }
0x24: {  	[spmem:s6] =	stream.linear.scatter [tilespmem:s13], [sflag:$0x2], $0x2800, $0x38;
	[tilespmem:$0x18480] =	vst v63  }
0x25: {  	_ =	swait.ge [sflag:s14], $0x2800  }
0x26: {  	[sflag:s14] =	ssyncset.done $0x0  }
0x27: {  	[sflag:s14] =	ssyncadd.s32 $0xFFFFD800  }
0x28: {  	[spmem:s7] =	stream.linear.scatter [tilespmem:s13], [sflag:$0x2], $0x2800, $0x38;
	[tilespmem:$0x18480] =	vst v63  }
0x29: {  	_ =	swait.ge [sflag:s14], $0x2800  }
0x2a: {  	[sflag:s14] =	ssyncset.done $0x0  }
0x2b: {  	[sflag:s14] =	ssyncadd.s32 $0xFFFFD800  }
0x2c: {  	[spmem:s9] =	stream.linear.scatter [tilespmem:s13], [sflag:$0x2], $0x2480, $0x38;
	[tilespmem:$0x18480] =	vst v63  }
0x2d: {  	_ =	swait.ge [sflag:s14], $0x2480  }
0x2e: {  	[sflag:s14] =	ssyncset.done $0x0  }
0x2f: {  	s31 =	simm.s32 $0x0;
	[sflag:s14] =	ssyncadd.s32 $0xFFFFDB80  }
0x30: {  	[tilespmem:s31], [sflag:$0x2] =	stream.linear.gather [hbm4b:s8+s31], $0x3E80, $0x38;
	[tilespmem:$0x18480] =	vst v63  }
0x31: {  	_ =	swait.ge [sflag:s14], $0x3E80  }
0x32: {  	[sflag:s14] =	ssyncset.done $0x0  }
0x33: {  	[sflag:s14] =	ssyncadd.s32 $0xFFFFC180  }
0x34: {  	[tilespmem:s15], [sflag:$0x2] =	stream.linear.gather [hbm4b:s10+s31], $0x3E80, $0x38;
	[tilespmem:$0x18480] =	vst v63  }
0x35: {  	_ =	swait.ge [sflag:s14], $0x3E80  }
0x36: {  	[sflag:s14] =	ssyncset.done $0x0  }
0x37: {  	s21 =	simm.s32 $0x0;
	[sflag:s14] =	ssyncadd.s32 $0xFFFFC180  }
0x38: {  	v2 =	vld [tilespmem:s21+$0x4040]  }
0x39: {  	v3 =	vld [tilespmem:s21+$0x4000]  }
0x3a: {  	v6 =	vld [tilespmem:s21+$0x4010]  }
0x3b: {  	v7 =	vld [tilespmem:s21+$0x4020]  }
0x3c: {  	v8 =	vld [tilespmem:s21+$0x4030]  }
0x3d: {  	s20 =	simm.s32 $0x80;
	v4 =	vsub.s32 v2, v0  }
0x3e: {  	v2 =	vld [tilespmem:s20+$0x4040];
	v3 =	vsub.s32 v3, v0;
	v4 =	vmin.u32 v4, $0x1388  }
0x3f: {  	v5 =	vld [tilespmem:s20+$0x4000];
	v6 =	vsub.s32 v6, v0;
	v3 =	vmin.u32 v3, $0x1388;
	[tilespmem:s21+$0x8040] =	vst v4  }
0x40: {  	v7 =	vsub.s32 v7, v0;
	v6 =	vmin.u32 v6, $0x1388;
	v4 =	vld [tilespmem:s20+$0x4010];
	[tilespmem:s21+$0x8000] =	vst v3  }
0x41: {  	v8 =	vsub.s32 v8, v0;
	v7 =	vmin.u32 v7, $0x1388;
	v3 =	vld [tilespmem:s20+$0x4020];
	[tilespmem:s21+$0x8010] =	vst v6  }
0x42: {  	s22 =	simm.s32 $0x400;
	v6 =	vld [tilespmem:s20+$0x4030];
	[tilespmem:s21+$0x8020] =	vst v7;
	v7 =	vmin.u32 v8, $0x1388  }
.LBB2_4:
0x43: {  	s23 =	sshra.s32 s22, $0x2;
	p0 =	sne.s32 s22, $0xF800;
	s22 =	sadd.s32 $0x200, s22;
	v8 =	vsub.s32 v2, v0;
	[tilespmem:s21+$0x8030] =	vst v7  }
.Ltmp1:
0x44: {  	s21 =	smov.u32 s20;
	v2 =	vld [tilespmem:s23+$0x4040];
	v7 =	vsub.s32 v5, v0;
	v8 =	vmin.u32 v8, $0x1388;
	s20 =	smov.u32 s23;
	(pc) =	sbr.rel @p0 .LBB2_4-.Ltmp1, $4  }
0x45: {  	v5 =	vld [tilespmem:s20+$0x4000];
	v7 =	vmin.u32 v7, $0x1388;
	v9 =	vsub.s32 v4, v0;
	[tilespmem:s21+$0x8040] =	vst v8  }
0x46: {  	v4 =	vld [tilespmem:s20+$0x4010];
	[tilespmem:s21+$0x8000] =	vst v7;
	v7 =	vmin.u32 v9, $0x1388;
	v8 =	vsub.s32 v3, v0  }
0x47: {  	v3 =	vld [tilespmem:s20+$0x4020];
	[tilespmem:s21+$0x8010] =	vst v7;
	v7 =	vmin.u32 v8, $0x1388;
	v8 =	vsub.s32 v6, v0  }
0x48: {  	v6 =	vld [tilespmem:s20+$0x4030];
	[tilespmem:s21+$0x8020] =	vst v7;
	v7 =	vmin.u32 v8, $0x1388  }
0x49: {  	v2 =	vsub.s32 v2, v0  }
0x4a: {  	[tilespmem:s21+$0x8030] =	vst v7;
	v5 =	vsub.s32 v5, v0;
	v2 =	vmin.u32 v2, $0x1388  }
0x4b: {  	v5 =	vmin.u32 v5, $0x1388;
	v4 =	vsub.s32 v4, v0;
	[tilespmem:s20+$0x8040] =	vst v2  }
0x4c: {  	[tilespmem:s20+$0x8000] =	vst v5;
	v2 =	vmin.u32 v4, $0x1388;
	v3 =	vsub.s32 v3, v0  }
0x4d: {  	[tilespmem:s20+$0x8010] =	vst v2;
	v2 =	vmin.u32 v3, $0x1388;
	v3 =	vsub.s32 v6, v0  }
0x4e: {  	[tilespmem:s20+$0x8020] =	vst v2;
	v2 =	vmin.u32 v3, $0x1388  }
0x4f: {  	[tilespmem:s20+$0x8030] =	vst v2  }
0x50: {  	s30 =	simm.s32 $0x0;
	[bflag:$0x0] =	sbarrier.arrive $0xFFFF  }
0x51: {  	[tilespmem:s13], [sflag:$0x1] =	stream.indirect.gather [hbm4b:s4+s16], $0x80, s30, s16, $0xb8;
	[tilespmem:$0x18480] =	vst v63  }
0x52: {  	_ =	swait.ge [sflag:s17], $0x2800  }
0x53: {  	[sflag:s17] =	ssyncset.done $0x0  }
0x54: {  	s31 =	simm.s32 $0x8000;
	[sflag:s17] =	ssyncadd.s32 $0xFFFFD800  }
0x55: {  	[spmem:s1] =	stream.indirect.scatter.add.f32 [tilespmem:s13], [sflag:$0x2], $0x80, s31, s16, $0xb8;
	[tilespmem:$0x18480] =	vst v63  }
0x56: {  	_ =	swait.ge [sflag:s14], $0x2800  }
0x57: {  	s21 =	simm.s32 $0x400;
	s20 =	simm.s32 $0x200;
	[sflag:s14] =	ssyncset.done $0x0  }
.LBB2_6:
0x58: {  	s22 =	sshra.s32 s20, $0x2  }
0x59: {  	[sflag:s14] =	ssyncadd.s32 $0xFFFFD800;
	s20 =	smov.u32 s21;
	s23 =	sadd.s32 $0x200, s21  }
0x5a: {  	[tilespmem:s13], [sflag:$0x1] =	stream.indirect.gather [hbm4b:s4+s16], $0x80, s22, s16, $0xb8;
	[tilespmem:$0x18480] =	vst v63  }
0x5b: {  	p0 =	sne.s32 s21, $0xF800;
	_ =	swait.ge [sflag:s17], $0x2800  }
.Ltmp2:
0x5c: {  	[sflag:s17] =	ssyncset.done $0x0;
	(pc) =	sbr.rel @p0 .LBB2_6-.Ltmp2, $4  }
0x5d: {  	s21 =	sadd.s32 $0x8000, s22;
	[sflag:s17] =	ssyncadd.s32 $0xFFFFD800  }
0x5e: {  	[spmem:s1] =	stream.indirect.scatter.add.f32 [tilespmem:s13], [sflag:$0x2], $0x80, s21, s16, $0xb8;
	[tilespmem:$0x18480] =	vst v63  }
0x5f: {  	_ =	swait.ge [sflag:s14], $0x2800  }
0x60: {  	s21 =	smov.u32 s23;
	[sflag:s14] =	ssyncset.done $0x0  }
0x61: {  	s20 =	sshra.s32 s20, $0x2;
	[sflag:s14] =	ssyncadd.s32 $0xFFFFD800  }
0x62: {  	[tilespmem:s13], [sflag:$0x1] =	stream.indirect.gather [hbm4b:s4+s16], $0x80, s20, s16, $0xb8;
	[tilespmem:$0x18480] =	vst v63  }
0x63: {  	_ =	swait.ge [sflag:s17], $0x2800  }
0x64: {  	[sflag:s17] =	ssyncset.done $0x0  }
0x65: {  	s20 =	sadd.s32 $0x8000, s20;
	[sflag:s17] =	ssyncadd.s32 $0xFFFFD800  }
0x66: {  	[spmem:s1] =	stream.indirect.scatter.add.f32 [tilespmem:s13], [sflag:$0x2], $0x80, s20, s16, $0xb8;
	[tilespmem:$0x18480] =	vst v63  }
0x67: {  	_ =	swait.ge [sflag:s14], $0x2800  }
0x68: {  	s3 =	sadd.s32 $0x1, s3;
	[sflag:s14] =	ssyncset.done $0x0  }
0x69: {  	p0 =	sne.s32 s3, s12;
	[sflag:s14] =	ssyncadd.s32 $0xFFFFD800  }
.Ltmp3:
0x6a: {  	[bflag:$0x0] =	sbarrier.arrive $0xFFFF;
	(pc) =	sbr.rel @p0 .LBB2_1-.Ltmp3, $4  }
0x6b: {  	[hbm:s11], [sflag:s18] =	dma.local [spmem:s19], $0x1390  }
0x6c: {  	_ =	swait.ge [sflag:s14], $0x1390  }
0x6d: {  	[sflag:s14] =	ssyncset.done $0x0  }
0x6e: {  	[sflag:s14] =	ssyncadd.s32 $0xFFFFEC70  }
0x6f: {  	_ =	sfence.sel $0x180000  }
0x70: {  	[bflag:$0x0] =	sbarrier.arrive $0xFFFF  }
0x71: {  	p0 =	sne.s32 s2, $0x0;
	_ =	strace $0x9000004D  }
0x72: {  	s0 =	sadd.s32 @!p0 $0x100000, s0;
	[bflag:$0x2] =	sbarrier.arrive $0xFFFF  }
0x73: {  	[sflag:s0] =	ssyncadd.tile.s32 @!p0 $0x1;
	_ =	shalt  }
.Lfunc_end2:
_tile_overlayer_lowered:
.L_overlay_start_2:
0x74: {  	(tag) =	ssettag $0x2  }
0x75: {  	s0 =	rddreg [dreg:$0x0];
	s2 =	stileid.u32  }
0x76: {  	s1 =	rddreg [dreg:$0x1];
	p0 =	sne.s32 s2, $0x0  }
0x77: {  	s3 =	rddreg [dreg:$0x2];
	[bflag:$0x3] =	sbarrier.arrive $0xFFFF;
	s2 =	simm.s32 @!p0 $0x1C02  }
0x78: {  	[timem:s3], [sflag:s2] =	dma.local @!p0 [hbm:s0], s1  }
0x79: {  	s0 =	simm.s32 @!p0 $0x2  }
0x7a: {  	_ =	swait.ge @!p0 [sflag:s0], s1  }
0x7b: {  	s1 =	ssub.s32 @!p0 $0x0, s1;
	[sflag:s0] =	ssyncset.done @!p0 $0x0  }
0x7c: {  	[sflag:s0] =	ssyncadd.s32 @!p0 s1  }
0x7d: {  	[bflag:$0x3] =	sbarrier.arrive $0xFFFF  }
0x7e: {  	_ =	shalt  }

// kernel: kernel.8.cloned.1.call-start
scs
__scs_entry_jumppad:
0x0: {  	(pc) =	sbr.rel $0x88, $3  }
0x1: {  	(tag) =	ssettag $0x0;
	lr =	simm.s32 $0x1  }
0x2: {  	[smem:$0x3F8B] =	sst lr;
	_ =	strace $0xD0000000  }
0x3: {  	_ = 	snop  }
0x4: {  	_ = 	snop  }
0x5: {  	_ = 	snop  }
0x6: {  	_ = 	snop  }
0x7: {  	_ = 	snop  }
__scs_overlays_trampoline_lowered:
0x8: {  	[smem:$0x3F9A] =	sst s0  }
0x9: {  	[smem:$0x3F9B] =	sst s1  }
0xa: {  	[smem:$0x3F9C] =	sst s2  }
0xb: {  	[smem:$0x3F9D] =	sst s3  }
0xc: {  	[smem:$0x3F9E] =	sst s4  }
0xd: {  	[smem:$0x3F9F] =	sst s5  }
0xe: {  	[smem:$0x3FA0] =	sst s6  }
0xf: {  	[smem:$0x3FA1] =	sst s7  }
0x10: {  	[smem:$0x3FA2] =	sst s8  }
0x11: {  	[smem:$0x3FA3] =	sst s9;
	s0 =	simm.s32 @!p0 $0x0  }
0x12: {  	s1 =	sld [smem:$0x3F89];
	s0 =	simm.s32 @p0 $0x1  }
0x13: {  	[smem:$0x3FA4] =	sst s0;
	s0 =	simm.s32 @!p1 $0x0  }
0x14: {  	s2 =	sld [smem:$0x3F88];
	s0 =	simm.s32 @p1 $0x1  }
0x15: {  	[smem:$0x3FA5] =	sst s0;
	s0 =	simm.s32 @!p2 $0x0  }
0x16: {  	s3 =	sld [smem:$0x3FDB];
	s0 =	simm.s32 @p2 $0x1  }
0x17: {  	s4 =	simm.s32 $0x1BF5;
	[smem:$0x3FA7] =	sst s0  }
0x18: {  	s0 =	sld [smem:$0x3F8A];
	_ =	swait.ge [sflag:s4], $0x0  }
0x19: {  	s7 =	sld [smem:$0x3F8B]  }
0x1a: {  	s8 =	sadd.s32 $0xFFFFE003, lr  }
0x1b: {  	s9 =	sadd.s32 $0xFFFFFEF7, lr;
	s5 =	simm.s32 $0xFFFFFFFF;
	p2 =	slt.u32 s8, $0xFFFFF086  }
0x1c: {  	p1 =	slt.u32 s9, $0xF7A;
	s5 =	simm.s32 @!p2 $0x0  }
0x1d: {  	s5 =	simm.s32 @p1 $0x1;
	p0 =	seq.s32 s7, s2  }
0x1e: {  	s7 =	smul.u32 @!p0 $0xF7A, s2;
	p2 =	seq.s32 @!p0 s5, $0x0  }
0x1f: {  	s9 =	smul.u32 $0xF7A, s1;
	s8 =	simm.s32 @!p0 $0x1BF5;
	p2 =	por !p2, p0  }
0x20: {  	[sflag:s8] =	ssyncset.s32 @!p0 $0xFFFFF086;
	s6 =	sadd.s32 @!p0 s3, s7;
	s7 =	simm.s32 @!p0 $0x108  }
0x21: {  	s3 =	sadd.s32 s3, s9;
	s6 =	sadd.s32 @!p0 $0x88, s6;
	s7 =	simm.s32 @p2 $0x1082  }
0x22: {  	[simem:s7], [sflag:s8] =	dma.local @!p0 [hbm:s6], $0xF7A  }
0x23: {  	s9 =	sor.u32 $0xD0000000, s2;
	s6 =	simm.s32 $0x108;
	_ =	swait.ge @!p0 [sflag:s8], $0x0  }
0x24: {  	s3 =	sadd.s32 $0x88, s3;
	s6 =	simm.s32 @!p1 $0x1082;
	[sflag:s4] =	ssyncset.s32 $0xFFFFF086  }
0x25: {  	[simem:s6], [sflag:s4] =	dma.local [hbm:s3], $0xF7A  }
0x26: {  	[smem:$0x3F8B] =	sst s1;
	(tag) =	ssettag s2;
	_ =	strace s9  }
0x27: {  	s1 =	sld [smem:$0x3F9B]  }
0x28: {  	s2 =	sld [smem:$0x3F9C]  }
0x29: {  	s4 =	sld [smem:$0x3F9E]  }
0x2a: {  	p0 =	seq.s32 s5, $0x0;
	s5 =	sld [smem:$0x3F9F]  }
0x2b: {  	s6 =	sld [smem:$0x3FA0]  }
0x2c: {  	s7 =	sld [smem:$0x3FA1]  }
0x2d: {  	s3 =	simm.s32 $0x108;
	s8 =	sld [smem:$0x3FA2]  }
0x2e: {  	s3 =	simm.s32 @!p0 $0x1082;
	s9 =	sld [smem:$0x3FA3]  }
0x2f: {  	lr =	sadd.s32 s0, s3;
	s0 =	sld [smem:$0x3F9A]  }
0x30: {  	s3 =	sld [smem:$0x3F9D]  }
0x31: {  	[smem:$0x3FA6] =	sst s10  }
0x32: {  	s10 =	sld [smem:$0x3FA4];
	_ =	sdelay $0x3  }
0x33: {  	p0 =	seq.s32 s10, $0x1;
	s10 =	sld [smem:$0x3FA6];
	_ =	sdelay $0x3  }
0x34: {  	[smem:$0x3FA6] =	sst s10  }
0x35: {  	s10 =	sld [smem:$0x3FA5];
	_ =	sdelay $0x3  }
0x36: {  	p1 =	seq.s32 s10, $0x1;
	s10 =	sld [smem:$0x3FA6];
	_ =	sdelay $0x3  }
0x37: {  	[smem:$0x3FA6] =	sst s10  }
0x38: {  	s10 =	sld [smem:$0x3FA7]  }
0x39: {  	_ = 	snop;
	(pc) =	sbr.ind lr, $3  }
0x3a: {  	_ = 	snop  }
0x3b: {  	_ = 	snop  }
0x3c: {  	p2 =	seq.s32 s10, $0x1;
	s10 =	sld [smem:$0x3FA6]  }
0x3d: {  	_ =	shalt  }
0x3e: {  	_ =	shalt  }
0x3f: {  	_ =	shalt  }
0x40: {  	_ =	shalt  }
0x41: {  	_ =	shalt  }
0x42: {  	_ =	shalt  }
0x43: {  	_ =	shalt  }
0x44: {  	_ =	shalt  }
0x45: {  	_ =	shalt  }
0x46: {  	_ =	shalt  }
0x47: {  	_ =	shalt  }
0x48: {  	_ =	shalt  }
0x49: {  	_ =	shalt  }
0x4a: {  	_ =	shalt  }
0x4b: {  	_ =	shalt  }
0x4c: {  	_ =	shalt  }
0x4d: {  	_ =	shalt  }
0x4e: {  	_ =	shalt  }
0x4f: {  	_ =	shalt  }
0x50: {  	_ =	shalt  }
0x51: {  	_ =	shalt  }
0x52: {  	_ =	shalt  }
0x53: {  	_ =	shalt  }
0x54: {  	_ =	shalt  }
0x55: {  	_ =	shalt  }
0x56: {  	_ =	shalt  }
0x57: {  	_ =	shalt  }
0x58: {  	_ =	shalt  }
0x59: {  	_ =	shalt  }
0x5a: {  	_ =	shalt  }
0x5b: {  	_ =	shalt  }
0x5c: {  	_ =	shalt  }
0x5d: {  	_ =	shalt  }
0x5e: {  	_ =	shalt  }
0x5f: {  	_ =	shalt  }
0x60: {  	_ =	shalt  }
0x61: {  	_ =	shalt  }
0x62: {  	_ =	shalt  }
0x63: {  	_ =	shalt  }
0x64: {  	_ =	shalt  }
0x65: {  	_ =	shalt  }
0x66: {  	_ =	shalt  }
0x67: {  	_ =	shalt  }
0x68: {  	_ =	shalt  }
0x69: {  	_ =	shalt  }
0x6a: {  	_ =	shalt  }
0x6b: {  	_ =	shalt  }
0x6c: {  	_ =	shalt  }
0x6d: {  	_ =	shalt  }
0x6e: {  	_ =	shalt  }
0x6f: {  	_ =	shalt  }
0x70: {  	_ =	shalt  }
0x71: {  	_ =	shalt  }
0x72: {  	_ =	shalt  }
0x73: {  	_ =	shalt  }
0x74: {  	_ =	shalt  }
0x75: {  	_ =	shalt  }
0x76: {  	_ =	shalt  }
0x77: {  	_ =	shalt  }
0x78: {  	_ =	shalt  }
0x79: {  	_ =	shalt  }
0x7a: {  	_ =	shalt  }
0x7b: {  	_ =	shalt  }
0x7c: {  	_ =	shalt  }
0x7d: {  	_ =	shalt  }
0x7e: {  	_ =	shalt  }
0x7f: {  	_ =	shalt  }
0x80: {  	_ =	shalt  }
0x81: {  	_ =	shalt  }
0x82: {  	_ =	shalt  }
0x83: {  	_ =	shalt  }
0x84: {  	_ =	shalt  }
0x85: {  	_ =	shalt  }
0x86: {  	_ =	shalt  }
0x87: {  	_ =	shalt  }
.Lfunc_end0:
.L_simem_size_0:
called_computation_lowered:
.L_overlay_start_0:
0x88: {  	s2 =	sld [smem:$0x3FD9]  }
0x89: {  	s3 =	sld [smem:$0x3FFE];
	_ =	sdelay $0x1  }
0x8a: {  	s1 =	srdreg.scid  }
0x8b: {  	s0 =	sand.u32 $0x1, s1  }
0x8c: {  	s16 =	sshll.u32 s0, $0xA;
	s2 =	sadd.s32 s3, s2  }
0x8d: {  	s2 =	sadd.s32 s2, s16  }
0x8e: {  	[smem:$0x3FB2] =	sst s2  }
0x8f: {  	_ = 	snop  }
0x90: {  	(tm) =	ssettm $0x1  }
0x91: {  	s17 =	sld [smem:$0x3FFB];
	_ =	sdelay $0x3  }
0x92: {  	_ =	strace s17  }
0x93: {  	s2 =	sld [smem:$0x3FFC];
	_ =	sdelay $0x3  }
0x94: {  	_ =	strace s2  }
0x95: {  	s2 =	sld [smem:$0x3FFD];
	_ =	sdelay $0x3  }
0x96: {  	_ =	strace s2  }
0x97: {  	_ =	strace $0x8FFFFFFF  }
0x98: {  	s18 =	sld [smem:$0x3FDB];
	_ =	sdelay $0x1  }
0x99: {  	s19 =	simm.s32 $_scs_section_size  }
0x9a: {  	s4 =	simm.s32 $_size__tile_overlayer_lowered;
	s5 =	simm.s32 $_tile_overlayer_lowered  }
0x9b: {  	s22 =	simm.s32 $0x1BFF;
	s21 =	sshll.u32 s5, $0x1;
	s2 =	sadd.s32 s19, s18  }
0x9c: {  	s6 =	simm.s32 $0x0;
	s20 =	sshll.u32 s4, $0x1;
	s4 =	sadd.s32 s21, s2  }
0x9d: {  	[timem:s6], [sflag:s22] =	dma.local [hbm:s4], s20  }
0x9e: {  	_ =	swait.ge [sflag:s22], s20  }
0x9f: {  	s3 =	ssub.s32 $0x0, s20;
	[sflag:s22] =	ssyncset.done $0x0  }
0xa0: {  	[sflag:s22] =	ssyncadd.s32 s3;
	_ =	sdelay $0x1  }
0xa1: {  	s23 =	simm.s32 $0x1B8B  }
0xa2: {  	_ =	swait.ge [sflag:s23], $0x1  }
0xa3: {  	[sflag:s23] =	ssyncset.done $0x0  }
0xa4: {  	s25 =	simm.s32 $0x1B8E;
	s24 =	sld [smem:$0x3FFE];
	[sflag:s23] =	ssyncadd.s32 $0xFFFFFFFF  }
0xa5: {  	s26 =	simm.s32 $execute0_lowered;
	[smem:$0x3FD2] =	sst s25  }
0xa6: {  	s4 =	sshll.u32 s26, $0x1;
	_ =	strace $0x80000046;
	[dreg:$0x1] =	wrdreg $0xFFFFFFFF  }
0xa7: {  	s28 =	simm.s32 $_size_execute0_lowered;
	s2 =	sadd.s32 s2, s4;
	[dreg:$0x0] =	wrdreg $0x0  }
0xa8: {  	s4 =	sshll.u32 s28, $0x1;
	[dreg:$0x2] =	wrdreg s2  }
0xa9: {  	[dreg:$0x3] =	wrdreg s4  }
0xaa: {  	[dreg:$0x4] =	wrdreg $0xC0  }
0xab: {  	_ =	task [dreg:s6], $0x5FFFF  }
0xac: {  	[dreg:$0x1] =	wrdreg $0xFFFFFFFF  }
0xad: {  	[dreg:$0x0] =	wrdreg $0x60  }
0xae: {  	[dreg:$0x2] =	wrdreg s24  }
0xaf: {  	[dreg:$0x3] =	wrdreg $0x94000  }
0xb0: {  	[dreg:$0x4] =	wrdreg $0x9  }
0xb1: {  	_ =	task.clear_ibuf [dreg:s6], $0x5FFFF;
	_ =	strace $0x90000046  }
0xb2: {  	s29 =	simm.s32 $0x9;
	_ =	strace $0x80000048  }
0xb3: {  	_ =	swait.ge [sflag:s29], $0x1  }
0xb4: {  	[sflag:s29] =	ssyncadd.s32 $0xFFFFFFFF  }
0xb5: {  	_ =	strace $0x90000048  }
0xb6: {  	_ =	sfence  }
0xb7: {  	s30 =	sld [smem:$0x0];
	_ =	sdelay $0x2  }
0xb8: {  	s31 =	sshll.u32 s1, $0xD;
	s1 =	sshrl.u32 s1, $0x2  }
0xb9: {  	s3 =	sand.u32 $0x4000, s31;
	s1 =	sadd.s32 s1, s30  }
0xba: {  	s0 =	sor.u32 s3, s0;
	s1 =	sshll.u32 s1, $0x11  }
0xbb: {  	s0 =	sor.u32 s1, s0  }
0xbc: {  	s0 =	sadd.s32 $0x8F2B, s0  }
0xbd: {  	[sflag:s0] =	ssyncadd.remote.s32 $0x1  }
0xbe: {  	_ =	sfence.sel $0xFFFF  }
0xbf: {  	[dreg:$0x0] =	wrdreg $0xFFFFFFFF;
	(pc) =	sbr.abs _section_cstart, $3  }
0xc0: {  	[dreg:$0x1] =	wrdreg $0xFFFFFFFF  }
0xc1: {  	_ =	task.clear_ibuf [dreg:s6], $0x2FFFF;
	_ =	strace $0x9FFFFFFF  }
0xc2: {  	(tm) =	ssettm $0x7FFFFFFF  }
0xc3: {  	_ =	shalt  }
tec
execute0_lowered:
.L_overlay_start_1:
0x0: {  	(tag) =	ssettag $0x1  }
0x1: {  	s0 =	srdreg.scid;
	s4 =	rddreg [dreg:$0x0]  }
0x2: {  	s2 =	rddreg [dreg:$0x1];
	s5 =	sand.u32 $0x1, s0  }
0x3: {  	s0 =	stileid.u32;
	s6 =	smul.u32 $0x14000, s5  }
0x4: {  	s1 =	rddreg [dreg:$0x2];
	s3 =	simm.s32 $0x0;
	s7 =	smul.u32 $0x1400, s0  }
0x5: {  	s13 =	simm.s32 $0x2;
	s14 =	simm.s32 $0x7D;
	s8 =	smul.u32 $0x140000, s5  }
0x6: {  	s15 =	simm.s32 $0x1400;
	[smem:$0x7FF] =	sst s3;
	s28 =	smul.u32 $0x14000, s0  }
0x7: {  	s16 =	simm.s32 $0x1;
	s9 =	smul.u32 $0x50000, s0;
	_ =	strace $0x80000047  }
0x8: {  	s5 =	ssub.s32 $0x2, s5;
	s17 =	sshll.u32 s0, $0x6;
	s6 =	sadd.s32 s7, s6  }
0x9: {  	s31 =	sshrl.u32 s5, $0x1;
	s29 =	sadd.s32 s28, s8;
	s6 =	sshrl.u32 s6, $0x3  }
0xa: {  	s30 =	sshrl.u32 s9, $0x2;
	s10 =	sadd.s32 s6, s4;
	s6 =	sshrl.u32 s29, $0x3  }
0xb: {  	s17 =	sor.u32 $0x1C02, s17;
	s11 =	sadd.s32 s6, s4;
	s4 =	sadd.s32 s30, s2  }
0xc: {  	s12 =	ssub.s32 s5, s31;
	s9 =	sadd.s32 $0x4400, s10;
	s5 =	sadd.s32 $0x4000, s4  }
0xd: {  	s6 =	sadd.s32 $0x8000, s4;
	s7 =	sadd.s32 $0xC000, s4;
	s8 =	sadd.s32 $0x10000, s4  }
0xe: {  	v0 =	vimm.f32 $0.0e+00;
	s10 =	sadd.s32 $0x9400, s11;
	s11 =	smax.u32 s12, $0x1;
	s12 =	simm.s32 $0x5400  }
.LBB2_1:
0xf: {  	p0 =	por $0x0, $0x0  }
0x10: {  	v1 =	vimm.f32 @!p0 $1.000000000e+00  }
0x11: {  	s18 =	simm.s32 $0x1;
	s19 =	simm.s32 $0x5400;
	s20 =	simm.s32 $0x1400;
	[tilespmem:s15+$0x0] =	vst @!p0 v1  }
.LBB2_2:
0x12: {  	s21 =	smov.u32 s18;
	s18 =	sadd.s32 $0x1, s18  }
0x13: {  	[tilespmem:s19+$0x0] =	vst v0;
	s19 =	sadd.s32 $0x80, s19;
	s20 =	sadd.s32 $0x80, s20;
	p0 =	sne.s32 s18, $0x80  }
.Ltmp0:
0x14: {  	(pc) =	sbr.rel @p0 .LBB2_2-.Ltmp0, $4  }
0x15: {  	_ = 	snop  }
0x16: {  	p1 =	sgt.u32 s21, $0x7C  }
0x17: {  	v1 =	vimm.f32 @!p1 $1.000000000e+00  }
0x18: {  	[tilespmem:s20+$0x0] =	vst @!p1 v1  }
0x19: {  	[tilespmem:s19+$0x0] =	vst v0  }
0x1a: {  	[spmem:s4] =	stream.linear.scatter [tilespmem:s12], [sflag:$0x2], $0x4000, $0x38;
	[tilespmem:$0xBC00] =	vst v63  }
0x1b: {  	_ =	swait.ge [sflag:s13], $0x4000  }
0x1c: {  	[sflag:s13] =	ssyncset.done $0x0  }
0x1d: {  	[sflag:s13] =	ssyncadd.s32 $0xFFFFC000  }
0x1e: {  	[spmem:s5] =	stream.linear.scatter [tilespmem:s12], [sflag:$0x2], $0x4000, $0x38;
	[tilespmem:$0xBC00] =	vst v63  }
0x1f: {  	_ =	swait.ge [sflag:s13], $0x4000  }
0x20: {  	[sflag:s13] =	ssyncset.done $0x0  }
0x21: {  	[sflag:s13] =	ssyncadd.s32 $0xFFFFC000  }
0x22: {  	[spmem:s6] =	stream.linear.scatter [tilespmem:s12], [sflag:$0x2], $0x4000, $0x38;
	[tilespmem:$0xBC00] =	vst v63  }
0x23: {  	_ =	swait.ge [sflag:s13], $0x4000  }
0x24: {  	[sflag:s13] =	ssyncset.done $0x0  }
0x25: {  	[sflag:s13] =	ssyncadd.s32 $0xFFFFC000  }
0x26: {  	[spmem:s7] =	stream.linear.scatter [tilespmem:s12], [sflag:$0x2], $0x4000, $0x38;
	[tilespmem:$0xBC00] =	vst v63  }
0x27: {  	_ =	swait.ge [sflag:s13], $0x4000  }
0x28: {  	[sflag:s13] =	ssyncset.done $0x0  }
0x29: {  	[sflag:s13] =	ssyncadd.s32 $0xFFFFC000  }
0x2a: {  	[spmem:s8] =	stream.linear.scatter [tilespmem:s12], [sflag:$0x2], $0x4000, $0x38;
	[tilespmem:$0xBC00] =	vst v63  }
0x2b: {  	_ =	swait.ge [sflag:s13], $0x4000  }
0x2c: {  	[sflag:s13] =	ssyncset.done $0x0  }
0x2d: {  	s18 =	simm.s32 $0x0;
	[sflag:s13] =	ssyncadd.s32 $0xFFFFC000  }
0x2e: {  	[tilespmem:s18], [sflag:$0x2] =	stream.linear.gather [hbm4b:s9+s18], $0x1400, $0x38;
	[tilespmem:$0xBC00] =	vst v63  }
0x2f: {  	_ =	swait.ge [sflag:s13], $0x1400  }
0x30: {  	[sflag:s13] =	ssyncset.done $0x0  }
0x31: {  	[sflag:s13] =	ssyncadd.s32 $0xFFFFEC00  }
0x32: {  	s30 =	simm.s32 $0x0;
	[bflag:$0x0] =	sbarrier.arrive $0xFFFF  }
0x33: {  	[spmem:s2] =	stream.indirect.scatter.add.f32 [tilespmem:s15], [sflag:$0x1], $0x10, s30, s14, $0xb8;
	[tilespmem:$0xBC00] =	vst v63  }
0x34: {  	s31 =	simm.s32 $0x80  }
0x35: {  	[spmem:s2] =	stream.indirect.scatter.add.f32 [tilespmem:s15], [sflag:$0x1], $0x10, s31, s14, $0xb8;
	[tilespmem:$0xBC00] =	vst v63  }
0x36: {  	_ =	swait.ge [sflag:s16], $0x7D0  }
0x37: {  	[sflag:s16] =	ssyncset.done $0x0  }
0x38: {  	[sflag:s16] =	ssyncadd.s32 $0xFFFFF830  }
0x39: {  	_ =	swait.ge [sflag:s16], $0x7D0  }
0x3a: {  	s19 =	simm.s32 $0x800;
	s18 =	simm.s32 $0x400;
	[sflag:s16] =	ssyncset.done $0x0  }
.LBB2_4:
0x3b: {  	s20 =	sshra.s32 s18, $0x2  }
0x3c: {  	[sflag:s16] =	ssyncadd.s32 $0xFFFFF830;
	s18 =	smov.u32 s19;
	s21 =	sadd.s32 $0x400, s19  }
0x3d: {  	[spmem:s2] =	stream.indirect.scatter.add.f32 [tilespmem:s15], [sflag:$0x1], $0x10, s20, s14, $0xb8;
	[tilespmem:$0xBC00] =	vst v63  }
0x3e: {  	p0 =	sne.s32 s19, $0x4C00;
	s19 =	sadd.s32 $0x80, s20  }
0x3f: {  	[spmem:s2] =	stream.indirect.scatter.add.f32 [tilespmem:s15], [sflag:$0x1], $0x10, s19, s14, $0xb8;
	[tilespmem:$0xBC00] =	vst v63  }
.Ltmp1:
0x40: {  	_ =	swait.ge [sflag:s16], $0x7D0;
	(pc) =	sbr.rel @p0 .LBB2_4-.Ltmp1, $4  }
0x41: {  	[sflag:s16] =	ssyncset.done $0x0  }
0x42: {  	[sflag:s16] =	ssyncadd.s32 $0xFFFFF830  }
0x43: {  	_ =	swait.ge [sflag:s16], $0x7D0  }
0x44: {  	s19 =	smov.u32 s21;
	[sflag:s16] =	ssyncset.done $0x0  }
0x45: {  	s18 =	sshra.s32 s18, $0x2;
	[sflag:s16] =	ssyncadd.s32 $0xFFFFF830  }
0x46: {  	[spmem:s2] =	stream.indirect.scatter.add.f32 [tilespmem:s15], [sflag:$0x1], $0x10, s18, s14, $0xb8;
	[tilespmem:$0xBC00] =	vst v63  }
0x47: {  	s18 =	sadd.s32 $0x80, s18  }
0x48: {  	[spmem:s2] =	stream.indirect.scatter.add.f32 [tilespmem:s15], [sflag:$0x1], $0x10, s18, s14, $0xb8;
	[tilespmem:$0xBC00] =	vst v63  }
0x49: {  	_ =	swait.ge [sflag:s16], $0x7D0  }
0x4a: {  	[sflag:s16] =	ssyncset.done $0x0  }
0x4b: {  	[sflag:s16] =	ssyncadd.s32 $0xFFFFF830  }
0x4c: {  	_ =	swait.ge [sflag:s16], $0x7D0  }
0x4d: {  	s3 =	sadd.s32 $0x1, s3;
	[sflag:s16] =	ssyncset.done $0x0  }
0x4e: {  	p0 =	sne.s32 s3, s11;
	[sflag:s16] =	ssyncadd.s32 $0xFFFFF830  }
.Ltmp2:
0x4f: {  	s31 =	sshrl.u32 s4, $0x3;
	[bflag:$0x0] =	sbarrier.arrive $0xFFFF;
	(pc) =	sbr.rel @p0 .LBB2_1-.Ltmp2, $4  }
0x50: {  	[hbm:s10], [sflag:s17] =	dma.local [spmem:s31], $0x2800  }
0x51: {  	_ =	swait.ge [sflag:s13], $0x2800  }
0x52: {  	[sflag:s13] =	ssyncset.done $0x0  }
0x53: {  	[sflag:s13] =	ssyncadd.s32 $0xFFFFD800  }
0x54: {  	_ =	sfence.sel $0x180000  }
0x55: {  	[bflag:$0x0] =	sbarrier.arrive $0xFFFF  }
0x56: {  	p0 =	sne.s32 s0, $0x0;
	_ =	strace $0x90000047  }
0x57: {  	s0 =	sadd.s32 @!p0 $0x100000, s1;
	[bflag:$0x2] =	sbarrier.arrive $0xFFFF  }
0x58: {  	[sflag:s0] =	ssyncadd.tile.s32 @!p0 $0x1;
	_ =	shalt  }
.Lfunc_end2:
_tile_overlayer_lowered:
.L_overlay_start_2:
0x59: {  	(tag) =	ssettag $0x2  }
0x5a: {  	s0 =	rddreg [dreg:$0x0];
	s2 =	stileid.u32  }
0x5b: {  	s1 =	rddreg [dreg:$0x1];
	p0 =	sne.s32 s2, $0x0  }
0x5c: {  	s3 =	rddreg [dreg:$0x2];
	[bflag:$0x3] =	sbarrier.arrive $0xFFFF;
	s2 =	simm.s32 @!p0 $0x1C02  }
0x5d: {  	[timem:s3], [sflag:s2] =	dma.local @!p0 [hbm:s0], s1  }
0x5e: {  	s0 =	simm.s32 @!p0 $0x2  }
0x5f: {  	_ =	swait.ge @!p0 [sflag:s0], s1  }
0x60: {  	s1 =	ssub.s32 @!p0 $0x0, s1;
	[sflag:s0] =	ssyncset.done @!p0 $0x0  }
0x61: {  	[sflag:s0] =	ssyncadd.s32 @!p0 s1  }
0x62: {  	[bflag:$0x3] =	sbarrier.arrive $0xFFFF  }
0x63: {  	_ =	shalt  }

</sc_bundles>
